<compile_context>
chip_gen: v7x
topology: tpu7x:2x2x1
jax: 0.10.2.dev20260603
libtpu: 0.0.44.dev20260713+nightly
codegen_flags: <defaults>
</compile_context>

<pallas_src>
import functools

import numpy as np
import jax
import jax.numpy as jnp
from jax import lax
from jax.experimental import pallas as pl
from jax.experimental.pallas import tpu as pltpu
from jax.experimental.pallas import tpu_sc as plsc

_FEATURES_SHAPE = (50, 50)
_STRIDE = 16
_ANCHOR_SIZE = 16
_NUM_GT = 64
_NEG_OVL = 0.4
_POS_OVL = 0.5

_L = 16
_NC = 2
_NS = 16
_NW = _NC * _NS
_N_REAL = 22500
_NPAD = 22528
_CHUNK = _NPAD // _NW
_VPW = _CHUNK // _L
_AUN = 4

_GTLEN = _NUM_GT * _L
_OX1, _OY1, _OX2, _OY2, _OCLS = (i * _GTLEN for i in range(5))
_RAW = _NUM_GT * 5 + 3 + 5
_OIMH_RAW = _NUM_GT * 5
_OIMW_RAW = _NUM_GT * 5 + 1

_LN2 = 0.6931471805599453
_SQRT2 = float(np.float32(np.sqrt(2.0)))


def _gen_anchors(base_size=16):
    ratios = np.array([0.5, 1.0, 2.0])
    scales = np.array([8.0, 16.0, 32.0])
    base = np.array([0.0, 0.0, base_size - 1.0, base_size - 1.0])
    w = base[2] - base[0] + 1.0
    h = base[3] - base[1] + 1.0
    x_ctr = base[0] + 0.5 * (w - 1.0)
    y_ctr = base[1] + 0.5 * (h - 1.0)
    size = w * h
    size_ratios = size / ratios
    ws = np.round(np.sqrt(size_ratios))
    hs = np.round(ws * ratios)

    def _mk(ws, hs, x_ctr, y_ctr):
        ws = ws[:, None]
        hs = hs[:, None]
        return np.hstack([x_ctr - 0.5 * (ws - 1.0), y_ctr - 0.5 * (hs - 1.0),
                          x_ctr + 0.5 * (ws - 1.0), y_ctr + 0.5 * (hs - 1.0)])

    ratio_anchors = _mk(ws, hs, x_ctr, y_ctr)
    out = []
    for i in range(ratio_anchors.shape[0]):
        a = ratio_anchors[i]
        w = a[2] - a[0] + 1.0
        h = a[3] - a[1] + 1.0
        x_ctr = a[0] + 0.5 * (w - 1.0)
        y_ctr = a[1] + 0.5 * (h - 1.0)
        out.append(_mk(w * scales, h * scales, x_ctr, y_ctr))
    return np.vstack(out).astype(np.float32)


def _shift_anchors(shape, stride, anchors):
    sx = np.arange(shape[1]) * stride
    sy = np.arange(shape[0]) * stride
    SX, SY = np.meshgrid(sx, sy)
    shifts = np.stack([SX.ravel(), SY.ravel(), SX.ravel(), SY.ravel()], axis=1)
    return (anchors[None, :, :] + shifts[:, None, :]).reshape(-1, 4).astype(np.float32)


_ANCHORS_NP = _shift_anchors(_FEATURES_SHAPE, _STRIDE, _gen_anchors(_ANCHOR_SIZE))

_APAD = np.zeros((_NPAD, 4), dtype=np.float32)
_APAD[:, :] = np.array([0.0, 0.0, 15.0, 15.0], dtype=np.float32)
_APAD[:_N_REAL] = _ANCHORS_NP
_ABLK = (_APAD.reshape(_NW, _CHUNK, 4).transpose(0, 2, 1)
         .reshape(_NW, 4 * _CHUNK).copy())


def _splat_f(v):
    return jnp.full((_L,), v, jnp.float32)


def _splat_i(v):
    return jnp.full((_L,), v, jnp.int32)


def _log_f32(x):
    bits = lax.bitcast_convert_type(x, jnp.int32)
    e = lax.shift_right_logical(bits, _splat_i(23)) - _splat_i(127)
    mbits = lax.bitwise_or(lax.bitwise_and(bits, _splat_i(0x007FFFFF)),
                           _splat_i(0x3F800000))
    m = lax.bitcast_convert_type(mbits, jnp.float32)
    adj = m > _splat_f(_SQRT2)
    m = jnp.where(adj, m * 0.5, m)
    ef = e.astype(jnp.float32) + jnp.where(adj, _splat_f(1.0), _splat_f(0.0))
    s = (m - 1.0) / (m + 1.0)
    z = s * s
    p = z * (np.float32(1.0 / 3.0) + z * (np.float32(0.2) + z * (
        np.float32(1.0 / 7.0) + z * np.float32(1.0 / 9.0))))
    t2 = s + s
    return ef * np.float32(_LN2) + (t2 + t2 * p)


def _sc_body(raw_h, ablk_h, lab_h, dx_h, dy_h, dw_h, dh_h,
             raw_v, gtp_v, areab_v, ab_v, ob_v):
    wid = lax.axis_index("c") * _NS + lax.axis_index("s")

    pltpu.sync_copy(raw_h, raw_v)
    pltpu.sync_copy(ablk_h.at[wid], ab_v)

    def rep_step(j, jvec5):
        o = j * _L
        bx1 = plsc.load_gather(raw_v, [jvec5])
        by1 = plsc.load_gather(raw_v, [jvec5 + 1])
        bx2 = plsc.load_gather(raw_v, [jvec5 + 2])
        by2 = plsc.load_gather(raw_v, [jvec5 + 3])
        bcls = plsc.load_gather(raw_v, [jvec5 + 4])
        gtp_v[pl.ds(_OX1 + o, _L)] = bx1
        gtp_v[pl.ds(_OY1 + o, _L)] = by1
        gtp_v[pl.ds(_OX2 + o, _L)] = bx2
        gtp_v[pl.ds(_OY2 + o, _L)] = by2
        gtp_v[pl.ds(_OCLS + o, _L)] = bcls
        areab_v[pl.ds(o, _L)] = (bx2 - bx1 + 1.0) * (by2 - by1 + 1.0)
        return jvec5 + 5

    lax.fori_loop(0, _NUM_GT, rep_step, _splat_i(0))

    imh = plsc.load_gather(raw_v, [_splat_i(_OIMH_RAW)])
    imw = plsc.load_gather(raw_v, [_splat_i(_OIMW_RAW)])
    lane = lax.iota(jnp.int32, _L)

    def anchor_step(v, _):
        ax1 = [None] * _AUN
        ay1 = [None] * _AUN
        ax2 = [None] * _AUN
        ay2 = [None] * _AUN
        area_a = [None] * _AUN
        for k in range(_AUN):
            off = (v * _AUN + k) * _L
            ax1[k] = ab_v[pl.ds(off, _L)]
            ay1[k] = ab_v[pl.ds(_CHUNK + off, _L)]
            ax2[k] = ab_v[pl.ds(2 * _CHUNK + off, _L)]
            ay2[k] = ab_v[pl.ds(3 * _CHUNK + off, _L)]
            area_a[k] = (ax2[k] - ax1[k] + 1.0) * (ay2[k] - ay1[k] + 1.0)

        init = (tuple([_splat_f(-1.0)] * _AUN), tuple([_splat_i(0)] * _AUN),
                _splat_i(0))

        @plsc.parallel_loop(0, _NUM_GT, carry=init, unroll=2)
        def box_loop(j, carry):
            best, bidx, jvec = carry
            best = list(best)
            bidx = list(bidx)
            o = j * _L
            bx1 = gtp_v[pl.ds(_OX1 + o, _L)]
            by1 = gtp_v[pl.ds(_OY1 + o, _L)]
            bx2 = gtp_v[pl.ds(_OX2 + o, _L)]
            by2 = gtp_v[pl.ds(_OY2 + o, _L)]
            areab = areab_v[pl.ds(o, _L)]
            for k in range(_AUN):
                iw = jnp.maximum(
                    jnp.minimum(ax2[k], bx2) - jnp.maximum(ax1[k], bx1) + 1.0, 0.0)
                ih = jnp.maximum(
                    jnp.minimum(ay2[k], by2) - jnp.maximum(ay1[k], by1) + 1.0, 0.0)
                inter = iw * ih
                union = (area_a[k] + areab) - inter
                iou = inter / union
                upd = iou > best[k]
                best[k] = jnp.where(upd, iou, best[k])
                bidx[k] = jnp.where(upd, jvec, bidx[k])
            return tuple(best), tuple(bidx), jvec + 1

        best, bidx, _ = box_loop

        for k in range(_AUN):
            off = (v * _AUN + k) * _L
            gidx = bidx[k] * _L + lane
            bx1 = plsc.load_gather(gtp_v, [gidx + _OX1])
            by1 = plsc.load_gather(gtp_v, [gidx + _OY1])
            bx2 = plsc.load_gather(gtp_v, [gidx + _OX2])
            by2 = plsc.load_gather(gtp_v, [gidx + _OY2])
            bcls = plsc.load_gather(gtp_v, [gidx + _OCLS])

            lab = _splat_f(-1.0)
            lab = jnp.where(best[k] < _NEG_OVL, _splat_f(0.0), lab)
            lab = jnp.where(best[k] >= _POS_OVL, _splat_f(1.0), lab)
            inside = ((ax1[k] >= 0.0) & (ay1[k] >= 0.0)
                      & (ax2[k] < imw) & (ay2[k] < imh))
            lab = jnp.where(inside, lab, _splat_f(-1.0))
            lab = jnp.where(lab == 1.0, bcls, lab)
            ob_v[pl.ds(off, _L)] = lab

            ex_w = ax2[k] - ax1[k] + 1.0
            ex_h = ay2[k] - ay1[k] + 1.0
            gt_w = bx2 - bx1 + 1.0
            gt_h = by2 - by1 + 1.0
            ex_cx = ax1[k] + 0.5 * ex_w
            ex_cy = ay1[k] + 0.5 * ex_h
            gt_cx = bx1 + 0.5 * gt_w
            gt_cy = by1 + 0.5 * gt_h
            ob_v[pl.ds(_CHUNK + off, _L)] = (gt_cx - ex_cx) / ex_w
            ob_v[pl.ds(2 * _CHUNK + off, _L)] = (gt_cy - ex_cy) / ex_h
            ob_v[pl.ds(3 * _CHUNK + off, _L)] = _log_f32(gt_w / ex_w)
            ob_v[pl.ds(4 * _CHUNK + off, _L)] = _log_f32(gt_h / ex_h)
        return 0

    lax.fori_loop(0, _VPW // _AUN, anchor_step, 0)

    osl = pl.ds(wid * _CHUNK, _CHUNK)
    pltpu.sync_copy(ob_v.at[pl.ds(0, _CHUNK)], lab_h.at[osl])
    pltpu.sync_copy(ob_v.at[pl.ds(_CHUNK, _CHUNK)], dx_h.at[osl])
    pltpu.sync_copy(ob_v.at[pl.ds(2 * _CHUNK, _CHUNK)], dy_h.at[osl])
    pltpu.sync_copy(ob_v.at[pl.ds(3 * _CHUNK, _CHUNK)], dw_h.at[osl])
    pltpu.sync_copy(ob_v.at[pl.ds(4 * _CHUNK, _CHUNK)], dh_h.at[osl])


_sc_call = functools.partial(
    pl.kernel,
    out_type=[jax.ShapeDtypeStruct((_NPAD,), jnp.float32)] * 5,
    mesh=plsc.VectorSubcoreMesh(core_axis_name="c", subcore_axis_name="s",
                                num_cores=_NC, num_subcores=_NS),
    compiler_params=pltpu.CompilerParams(needs_layout_passes=False),
    scratch_types=[
        pltpu.VMEM((_RAW,), jnp.float32),
        pltpu.VMEM((5 * _GTLEN,), jnp.float32),
        pltpu.VMEM((_GTLEN,), jnp.float32),
        pltpu.VMEM((4 * _CHUNK,), jnp.float32),
        pltpu.VMEM((5 * _CHUNK,), jnp.float32),
    ],
)(_sc_body)


def kernel(im_info, gt_boxes):
    raw = jnp.concatenate([
        gt_boxes.astype(jnp.float32).reshape(_NUM_GT * 5),
        im_info.astype(jnp.float32).reshape(3),
        jnp.zeros((5,), jnp.float32),
    ])

    lab, dx, dy, dw, dh = _sc_call(raw, _ABLK)
    labels = lab[:_N_REAL][None, :]
    targets = jnp.stack([dx[:_N_REAL], dy[:_N_REAL],
                         dw[:_N_REAL], dh[:_N_REAL]], axis=1)[None]
    anchors = jnp.asarray(_ANCHORS_NP)[None]
    return labels, targets, anchors

# --- scband reference (transcript-rebuilt; emitter-appended) ---
"""Pipeline reference for scband-anchor-target-54863912239690 (READ-ONLY COPY).

The authoritative reference and input builder live on the scoring server;
editing this copy changes nothing except your own understanding.
"""

import jax, jax.numpy as jnp
import numpy as np

FEATURES_SHAPE = (50, 50)
STRIDE = 16
ANCHOR_SIZE = 16
NUM_ANCHORS = 9
ALLOWED_BORDER = 0.0
CLOBBER_POSITIVES = False
NEGATIVE_OVERLAP = 0.4
POSITIVE_OVERLAP = 0.5
NUM_GT = 64


def _generate_anchors(base_size=16):
    ratios = np.array([0.5, 1.0, 2.0])
    scales = np.array([8.0, 16.0, 32.0])
    base = np.array([0.0, 0.0, base_size - 1.0, base_size - 1.0])
    w = base[2] - base[0] + 1.0
    h = base[3] - base[1] + 1.0
    x_ctr = base[0] + 0.5 * (w - 1.0)
    y_ctr = base[1] + 0.5 * (h - 1.0)
    size = w * h
    size_ratios = size / ratios
    ws = np.round(np.sqrt(size_ratios))
    hs = np.round(ws * ratios)

    def _mkanchors(ws, hs, x_ctr, y_ctr):
        ws = ws[:, None]
        hs = hs[:, None]
        return np.hstack([x_ctr - 0.5 * (ws - 1.0), y_ctr - 0.5 * (hs - 1.0), x_ctr + 0.5 * (ws - 1.0), y_ctr + 0.5 * (hs - 1.0)])

    ratio_anchors = _mkanchors(ws, hs, x_ctr, y_ctr)
    out = []
    for i in range(ratio_anchors.shape[0]):
        a = ratio_anchors[i]
        w = a[2] - a[0] + 1.0
        h = a[3] - a[1] + 1.0
        x_ctr = a[0] + 0.5 * (w - 1.0)
        y_ctr = a[1] + 0.5 * (h - 1.0)
        out.append(_mkanchors(w * scales, h * scales, x_ctr, y_ctr))
    return np.vstack(out).astype(np.float32)


def _shift(shape, stride, anchors):
    sx = np.arange(shape[1]) * stride
    sy = np.arange(shape[0]) * stride
    SX, SY = np.meshgrid(sx, sy)
    shifts = np.stack([SX.ravel(), SY.ravel(), SX.ravel(), SY.ravel()], axis=1)
    all_anchors = (anchors[None, :, :] + shifts[:, None, :]).reshape(-1, 4)
    return all_anchors.astype(np.float32)


_ALL_ANCHORS = _shift(FEATURES_SHAPE, STRIDE, _generate_anchors(ANCHOR_SIZE))


def _overlaps(anchors, boxes):
    area_a = (anchors[:, 2] - anchors[:, 0] + 1.0) * (anchors[:, 3] - anchors[:, 1] + 1.0)
    area_b = (boxes[:, 2] - boxes[:, 0] + 1.0) * (boxes[:, 3] - boxes[:, 1] + 1.0)
    iw = jnp.clip(jnp.minimum(anchors[:, 2:3], boxes[None, :, 2]) - jnp.maximum(anchors[:, 0:1], boxes[None, :, 0]) + 1.0, 0.0)
    ih = jnp.clip(jnp.minimum(anchors[:, 3:4], boxes[None, :, 3]) - jnp.maximum(anchors[:, 1:2], boxes[None, :, 1]) + 1.0, 0.0)
    inter = iw * ih
    union = area_a[:, None] + area_b[None, :] - inter
    return inter / union


def _bbox_transform(ex_rois, gt_rois):
    ex_w = ex_rois[:, 2] - ex_rois[:, 0] + 1.0
    ex_h = ex_rois[:, 3] - ex_rois[:, 1] + 1.0
    ex_cx = ex_rois[:, 0] + 0.5 * ex_w
    ex_cy = ex_rois[:, 1] + 0.5 * ex_h
    gt_w = gt_rois[:, 2] - gt_rois[:, 0] + 1.0
    gt_h = gt_rois[:, 3] - gt_rois[:, 1] + 1.0
    gt_cx = gt_rois[:, 0] + 0.5 * gt_w
    gt_cy = gt_rois[:, 1] + 0.5 * gt_h
    dx = (gt_cx - ex_cx) / ex_w
    dy = (gt_cy - ex_cy) / ex_h
    dw = jnp.log(gt_w / ex_w)
    dh = jnp.log(gt_h / ex_h)
    return jnp.stack([dx, dy, dw, dh], axis=1)


def setup_inputs(seed: int = 0) -> dict:
    key = jax.random.key(seed)
    k1, k2, k3, k4, k5 = jax.random.split(key, 5)
    x1 = jax.random.uniform(k1, (NUM_GT,)) * 600.0
    y1 = jax.random.uniform(k2, (NUM_GT,)) * 600.0
    w = jax.random.uniform(k3, (NUM_GT,)) * 190.0 + 10.0
    h = jax.random.uniform(k4, (NUM_GT,)) * 190.0 + 10.0
    cls = jax.random.randint(k5, (NUM_GT,), 1, 21).astype(jnp.float32)
    gt_boxes = jnp.stack([x1, y1, x1 + w, y1 + h, cls], axis=1)[None, :, :]
    im_info = jnp.array([[800.0, 800.0, 1.0]], dtype=jnp.float32)
    return {"im_info": im_info, "gt_boxes": gt_boxes}


def reference(im_info, gt_boxes):
    image_shape = im_info[0, :2]
    gt = gt_boxes[0]
    anchors = jnp.asarray(_ALL_ANCHORS)
    total_anchors = anchors.shape[0]
    ones = jnp.ones((total_anchors,), dtype=jnp.float32)
    zeros = jnp.zeros((total_anchors,), dtype=jnp.float32)
    negatives = ones * -1.0
    labels = negatives
    overlaps = _overlaps(anchors, gt[:, :4])
    argmax_overlaps_inds = jnp.argmax(overlaps, axis=1)
    max_overlaps = jnp.max(overlaps, axis=1)
    if not CLOBBER_POSITIVES:
        labels = jnp.where(max_overlaps < NEGATIVE_OVERLAP, zeros, labels)
    labels = jnp.where(max_overlaps >= POSITIVE_OVERLAP, ones, labels)
    if CLOBBER_POSITIVES:
        labels = jnp.where(max_overlaps < NEGATIVE_OVERLAP, zeros, labels)
    gt_gathered = jnp.take(gt, argmax_overlaps_inds, axis=0)
    bbox_reg_targets = _bbox_transform(anchors, gt_gathered[:, :4])
    inside = ((anchors[:, 0] >= -ALLOWED_BORDER) & (anchors[:, 1] >= -ALLOWED_BORDER) & (anchors[:, 2] < ALLOWED_BORDER + image_shape[1]) & (anchors[:, 3] < ALLOWED_BORDER + image_shape[0]))
    labels = jnp.where(inside, labels, negatives)
    labels = jnp.where(labels == 1.0, gt_gathered[:, 4], labels)
    return labels[None, :], bbox_reg_targets[None, :, :], anchors[None, :, :]

if __name__ == "__main__":
    import jax
    _d = setup_inputs()
    print(jax.jit(kernel)(*tuple(_d.values())))

</pallas_src>

<mosaic_0001>
#map = affine_map<(d0, d1) -> (0)>
#map1 = affine_map<(d0, d1) -> (0, 0)>
module attributes {stable_mosaic.version = 14 : i64} {
  func.func @_sc_body(%arg0: i32, %arg1: i32, %arg2: memref<328xf32, #tpu.memory_space<hbm>>, %arg3: memref<32x2816xf32, #tpu.memory_space<hbm>>, %arg4: memref<22528xf32, #tpu.memory_space<hbm>>, %arg5: memref<22528xf32, #tpu.memory_space<hbm>>, %arg6: memref<22528xf32, #tpu.memory_space<hbm>>, %arg7: memref<22528xf32, #tpu.memory_space<hbm>>, %arg8: memref<22528xf32, #tpu.memory_space<hbm>>, %arg9: memref<328xf32, #tpu.memory_space<vmem>>, %arg10: memref<5120xf32, #tpu.memory_space<vmem>>, %arg11: memref<1024xf32, #tpu.memory_space<vmem>>, %arg12: memref<2816xf32, #tpu.memory_space<vmem>>, %arg13: memref<3520xf32, #tpu.memory_space<vmem>>) attributes {dimension_semantics = [#tpu.dimension_semantics<core_parallel>, #tpu.dimension_semantics<subcore_parallel>], iteration_bounds = array<i64: 2, 16>, scalar_prefetch = 0 : i64, scratch_operands = 5 : i64, tpu.core_type = #tpu.core_type<sc_vector_subcore>, window_params = [{transform_indices = #map}, {transform_indices = #map1}, {transform_indices = #map}, {transform_indices = #map}, {transform_indices = #map}, {transform_indices = #map}, {transform_indices = #map}]} {
    %mul3A = arith.constant 16 : i32
    %mul3A_0 = arith.muli %arg0, %mul3A : i32
    %add3A = arith.addi %mul3A_0, %arg1 : i32
    "tpu.region"() ({
      %run_scoped3A = tpu.sem_alloc : memref<!tpu.dma_semaphore, #tpu.memory_space<semaphore_mem>>
      tpu.enqueue_dma source(%arg2 : memref<328xf32, #tpu.memory_space<hbm>>) target(%arg9 : memref<328xf32, #tpu.memory_space<vmem>>) target_semaphore(%run_scoped3A : memref<!tpu.dma_semaphore, #tpu.memory_space<semaphore_mem>>)
      tpu.wait_dma2 semaphore(%run_scoped3A : memref<!tpu.dma_semaphore, #tpu.memory_space<semaphore_mem>>) src(%arg2 : memref<328xf32, #tpu.memory_space<hbm>>) dst(%arg9 : memref<328xf32, #tpu.memory_space<vmem>>)
      tpu.yield
    }) : () -> ()
    "tpu.region"() ({
      %run_scoped3A = tpu.sem_alloc : memref<!tpu.dma_semaphore, #tpu.memory_space<semaphore_mem>>
      %dma_start3A = arith.constant 0 : i32
      %dma_start3A_21 = tpu.memref_slice %arg3[%add3A, %dma_start3A] : memref<32x2816xf32, #tpu.memory_space<hbm>> -> memref<1x2816xf32, #tpu.memory_space<hbm>>
      %dma_start3A_22 = tpu.memref_squeeze %dma_start3A_21 : memref<1x2816xf32, #tpu.memory_space<hbm>> -> memref<2816xf32, #tpu.memory_space<hbm>>
      %dma_start3A_23 = arith.constant 0 : i32
      %dma_start3A_24 = tpu.memref_slice %arg3[%add3A, %dma_start3A_23] : memref<32x2816xf32, #tpu.memory_space<hbm>> -> memref<1x2816xf32, #tpu.memory_space<hbm>>
      %dma_start3A_25 = tpu.memref_squeeze %dma_start3A_24 : memref<1x2816xf32, #tpu.memory_space<hbm>> -> memref<2816xf32, #tpu.memory_space<hbm>>
      tpu.enqueue_dma source(%dma_start3A_25 : memref<2816xf32, #tpu.memory_space<hbm>>) target(%arg12 : memref<2816xf32, #tpu.memory_space<vmem>>) target_semaphore(%run_scoped3A : memref<!tpu.dma_semaphore, #tpu.memory_space<semaphore_mem>>)
      %dma_wait3A = arith.constant 0 : i32
      %dma_wait3A_26 = tpu.memref_slice %arg3[%add3A, %dma_wait3A] : memref<32x2816xf32, #tpu.memory_space<hbm>> -> memref<1x2816xf32, #tpu.memory_space<hbm>>
      %dma_wait3A_27 = tpu.memref_squeeze %dma_wait3A_26 : memref<1x2816xf32, #tpu.memory_space<hbm>> -> memref<2816xf32, #tpu.memory_space<hbm>>
      %dma_wait3A_28 = arith.constant 0 : i32
      %dma_wait3A_29 = tpu.memref_slice %arg3[%add3A, %dma_wait3A_28] : memref<32x2816xf32, #tpu.memory_space<hbm>> -> memref<1x2816xf32, #tpu.memory_space<hbm>>
      %dma_wait3A_30 = tpu.memref_squeeze %dma_wait3A_29 : memref<1x2816xf32, #tpu.memory_space<hbm>> -> memref<2816xf32, #tpu.memory_space<hbm>>
      tpu.wait_dma2 semaphore(%run_scoped3A : memref<!tpu.dma_semaphore, #tpu.memory_space<semaphore_mem>>) src(%dma_wait3A_30 : memref<2816xf32, #tpu.memory_space<hbm>>) dst(%arg12 : memref<2816xf32, #tpu.memory_space<vmem>>)
      tpu.yield
    }) : () -> ()
    %broadcast_in_dim3A = arith.constant 0 : i32
    %broadcast_in_dim3A_1 = vector.broadcast %broadcast_in_dim3A : i32 to vector<16xi32>
    %scan3A = arith.constant 0 : i32
    %scan3A_2 = arith.constant 64 : i32
    %scan3A_3 = arith.addi %scan3A, %scan3A_2 : i32
    %scan3A_4 = arith.constant 1 : i32
    %scan3A_5 = scf.for %scan3A_21 = %scan3A to %scan3A_3 step %scan3A_4 iter_args(%scan3A_22 = %broadcast_in_dim3A_1) -> (vector<16xi32>)  : i32 {
      %mul3A_23 = arith.constant 16 : i32
      %mul3A_24 = arith.muli %scan3A_21, %mul3A_23 : i32
      %gather3A_25 = tpu.vector_load_idx %arg9[%scan3A_22] : memref<328xf32, #tpu.memory_space<vmem>>[vector<16xi32>], vector<16xf32>,
      %add3A_26 = arith.constant 1 : i32
      %add3A_27 = vector.broadcast %add3A_26 : i32 to vector<16xi32>
      %add3A_28 = arith.addi %scan3A_22, %add3A_27 : vector<16xi32>
      %gather3A_29 = tpu.vector_load_idx %arg9[%add3A_28] : memref<328xf32, #tpu.memory_space<vmem>>[vector<16xi32>], vector<16xf32>,
      %add3A_30 = arith.constant 2 : i32
      %add3A_31 = vector.broadcast %add3A_30 : i32 to vector<16xi32>
      %add3A_32 = arith.addi %scan3A_22, %add3A_31 : vector<16xi32>
      %gather3A_33 = tpu.vector_load_idx %arg9[%add3A_32] : memref<328xf32, #tpu.memory_space<vmem>>[vector<16xi32>], vector<16xf32>,
      %add3A_34 = arith.constant 3 : i32
      %add3A_35 = vector.broadcast %add3A_34 : i32 to vector<16xi32>
      %add3A_36 = arith.addi %scan3A_22, %add3A_35 : vector<16xi32>
      %gather3A_37 = tpu.vector_load_idx %arg9[%add3A_36] : memref<328xf32, #tpu.memory_space<vmem>>[vector<16xi32>], vector<16xf32>,
      %add3A_38 = arith.constant 4 : i32
      %add3A_39 = vector.broadcast %add3A_38 : i32 to vector<16xi32>
      %add3A_40 = arith.addi %scan3A_22, %add3A_39 : vector<16xi32>
      %gather3A_41 = tpu.vector_load_idx %arg9[%add3A_40] : memref<328xf32, #tpu.memory_space<vmem>>[vector<16xi32>], vector<16xf32>,
      %add3A_42 = arith.constant 0 : i32
      %add3A_43 = arith.addi %add3A_42, %mul3A_24 : i32
      %swap3A = arith.index_cast %add3A_43 : i32 to index
      %swap3A_44 = tpu.vector_load %arg10[%swap3A] {strides = array<i32>} : memref<5120xf32, #tpu.memory_space<vmem>>, vector<16xf32>,
      tpu.vector_store %arg10[%swap3A], %gather3A_25 {strides = array<i32>} : memref<5120xf32, #tpu.memory_space<vmem>>, vector<16xf32>,
      %add3A_45 = arith.constant 1024 : i32
      %add3A_46 = arith.addi %add3A_45, %mul3A_24 : i32
      %swap3A_47 = arith.index_cast %add3A_46 : i32 to index
      %swap3A_48 = tpu.vector_load %arg10[%swap3A_47] {strides = array<i32>} : memref<5120xf32, #tpu.memory_space<vmem>>, vector<16xf32>,
      tpu.vector_store %arg10[%swap3A_47], %gather3A_29 {strides = array<i32>} : memref<5120xf32, #tpu.memory_space<vmem>>, vector<16xf32>,
      %add3A_49 = arith.constant 2048 : i32
      %add3A_50 = arith.addi %add3A_49, %mul3A_24 : i32
      %swap3A_51 = arith.index_cast %add3A_50 : i32 to index
      %swap3A_52 = tpu.vector_load %arg10[%swap3A_51] {strides = array<i32>} : memref<5120xf32, #tpu.memory_space<vmem>>, vector<16xf32>,
      tpu.vector_store %arg10[%swap3A_51], %gather3A_33 {strides = array<i32>} : memref<5120xf32, #tpu.memory_space<vmem>>, vector<16xf32>,
      %add3A_53 = arith.constant 3072 : i32
      %add3A_54 = arith.addi %add3A_53, %mul3A_24 : i32
      %swap3A_55 = arith.index_cast %add3A_54 : i32 to index
      %swap3A_56 = tpu.vector_load %arg10[%swap3A_55] {strides = array<i32>} : memref<5120xf32, #tpu.memory_space<vmem>>, vector<16xf32>,
      tpu.vector_store %arg10[%swap3A_55], %gather3A_37 {strides = array<i32>} : memref<5120xf32, #tpu.memory_space<vmem>>, vector<16xf32>,
      %add3A_57 = arith.constant 4096 : i32
      %add3A_58 = arith.addi %add3A_57, %mul3A_24 : i32
      %swap3A_59 = arith.index_cast %add3A_58 : i32 to index
      %swap3A_60 = tpu.vector_load %arg10[%swap3A_59] {strides = array<i32>} : memref<5120xf32, #tpu.memory_space<vmem>>, vector<16xf32>,
      tpu.vector_store %arg10[%swap3A_59], %gather3A_41 {strides = array<i32>} : memref<5120xf32, #tpu.memory_space<vmem>>, vector<16xf32>,
      %sub3A = arith.subf %gather3A_33, %gather3A_25 : vector<16xf32>
      %add3A_61 = arith.constant 1.000000e+00 : f32
      %add3A_62 = vector.broadcast %add3A_61 : f32 to vector<16xf32>
      %add3A_63 = arith.addf %sub3A, %add3A_62 : vector<16xf32>
      %sub3A_64 = arith.subf %gather3A_37, %gather3A_29 : vector<16xf32>
      %add3A_65 = arith.constant 1.000000e+00 : f32
      %add3A_66 = vector.broadcast %add3A_65 : f32 to vector<16xf32>
      %add3A_67 = arith.addf %sub3A_64, %add3A_66 : vector<16xf32>
      %mul3A_68 = arith.mulf %add3A_63, %add3A_67 : vector<16xf32>
      %swap3A_69 = arith.index_cast %mul3A_24 : i32 to index
      %swap3A_70 = tpu.vector_load %arg11[%swap3A_69] {strides = array<i32>} : memref<1024xf32, #tpu.memory_space<vmem>>, vector<16xf32>,
      tpu.vector_store %arg11[%swap3A_69], %mul3A_68 {strides = array<i32>} : memref<1024xf32, #tpu.memory_space<vmem>>, vector<16xf32>,
      %add3A_71 = arith.constant 5 : i32
      %add3A_72 = vector.broadcast %add3A_71 : i32 to vector<16xi32>
      %add3A_73 = arith.addi %scan3A_22, %add3A_72 : vector<16xi32>
      scf.yield %add3A_73 : vector<16xi32>
    }
    %scan3A_6 = arith.constant 64 : i32
    %broadcast_in_dim3A_7 = arith.constant 320 : i32
    %broadcast_in_dim3A_8 = vector.broadcast %broadcast_in_dim3A_7 : i32 to vector<16xi32>
    %gather3A = tpu.vector_load_idx %arg9[%broadcast_in_dim3A_8] : memref<328xf32, #tpu.memory_space<vmem>>[vector<16xi32>], vector<16xf32>,
    %broadcast_in_dim3A_9 = arith.constant 321 : i32
    %broadcast_in_dim3A_10 = vector.broadcast %broadcast_in_dim3A_9 : i32 to vector<16xi32>
    %gather3A_11 = tpu.vector_load_idx %arg9[%broadcast_in_dim3A_10] : memref<328xf32, #tpu.memory_space<vmem>>[vector<16xi32>], vector<16xf32>,
    %iota3A = tpu.iota {dimensions = array<i32: 0>} : vector<16xi32>
    %scan3A_12 = arith.constant 0 : i32
    %scan3A_13 = arith.constant 0 : i32
    %scan3A_14 = arith.constant 11 : i32
    %scan3A_15 = arith.addi %scan3A_13, %scan3A_14 : i32
    %scan3A_16 = arith.constant 1 : i32
    %scan3A_17 = scf.for %scan3A_21 = %scan3A_13 to %scan3A_15 step %scan3A_16 iter_args(%scan3A_22 = %scan3A_12) -> (i32)  : i32 {
      %mul3A_23 = arith.constant 4 : i32
      %mul3A_24 = arith.muli %scan3A_21, %mul3A_23 : i32
      %add3A_25 = arith.constant 0 : i32
      %add3A_26 = arith.addi %mul3A_24, %add3A_25 : i32
      %mul3A_27 = arith.constant 16 : i32
      %mul3A_28 = arith.muli %add3A_26, %mul3A_27 : i32
      %get3A = arith.index_cast %mul3A_28 : i32 to index
      %get3A_29 = tpu.vector_load %arg12[%get3A] {strides = array<i32>} : memref<2816xf32, #tpu.memory_space<vmem>>, vector<16xf32>,
      %add3A_30 = arith.constant 704 : i32
      %add3A_31 = arith.addi %add3A_30, %mul3A_28 : i32
      %get3A_32 = arith.index_cast %add3A_31 : i32 to index
      %get3A_33 = tpu.vector_load %arg12[%get3A_32] {strides = array<i32>} : memref<2816xf32, #tpu.memory_space<vmem>>, vector<16xf32>,
      %add3A_34 = arith.constant 1408 : i32
      %add3A_35 = arith.addi %add3A_34, %mul3A_28 : i32
      %get3A_36 = arith.index_cast %add3A_35 : i32 to index
      %get3A_37 = tpu.vector_load %arg12[%get3A_36] {strides = array<i32>} : memref<2816xf32, #tpu.memory_space<vmem>>, vector<16xf32>,
      %add3A_38 = arith.constant 2112 : i32
      %add3A_39 = arith.addi %add3A_38, %mul3A_28 : i32
      %get3A_40 = arith.index_cast %add3A_39 : i32 to index
      %get3A_41 = tpu.vector_load %arg12[%get3A_40] {strides = array<i32>} : memref<2816xf32, #tpu.memory_space<vmem>>, vector<16xf32>,
      %sub3A = arith.subf %get3A_37, %get3A_29 : vector<16xf32>
      %add3A_42 = arith.constant 1.000000e+00 : f32
      %add3A_43 = vector.broadcast %add3A_42 : f32 to vector<16xf32>
      %add3A_44 = arith.addf %sub3A, %add3A_43 : vector<16xf32>
      %sub3A_45 = arith.subf %get3A_41, %get3A_33 : vector<16xf32>
      %add3A_46 = arith.constant 1.000000e+00 : f32
      %add3A_47 = vector.broadcast %add3A_46 : f32 to vector<16xf32>
      %add3A_48 = arith.addf %sub3A_45, %add3A_47 : vector<16xf32>
      %mul3A_49 = arith.mulf %add3A_44, %add3A_48 : vector<16xf32>
      %mul3A_50 = arith.constant 4 : i32
      %mul3A_51 = arith.muli %scan3A_21, %mul3A_50 : i32
      %add3A_52 = arith.constant 1 : i32
      %add3A_53 = arith.addi %mul3A_51, %add3A_52 : i32
      %mul3A_54 = arith.constant 16 : i32
      %mul3A_55 = arith.muli %add3A_53, %mul3A_54 : i32
      %get3A_56 = arith.index_cast %mul3A_55 : i32 to index
      %get3A_57 = tpu.vector_load %arg12[%get3A_56] {strides = array<i32>} : memref<2816xf32, #tpu.memory_space<vmem>>, vector<16xf32>,
      %add3A_58 = arith.constant 704 : i32
      %add3A_59 = arith.addi %add3A_58, %mul3A_55 : i32
      %get3A_60 = arith.index_cast %add3A_59 : i32 to index
      %get3A_61 = tpu.vector_load %arg12[%get3A_60] {strides = array<i32>} : memref<2816xf32, #tpu.memory_space<vmem>>, vector<16xf32>,
      %add3A_62 = arith.constant 1408 : i32
      %add3A_63 = arith.addi %add3A_62, %mul3A_55 : i32
      %get3A_64 = arith.index_cast %add3A_63 : i32 to index
      %get3A_65 = tpu.vector_load %arg12[%get3A_64] {strides = array<i32>} : memref<2816xf32, #tpu.memory_space<vmem>>, vector<16xf32>,
      %add3A_66 = arith.constant 2112 : i32
      %add3A_67 = arith.addi %add3A_66, %mul3A_55 : i32
      %get3A_68 = arith.index_cast %add3A_67 : i32 to index
      %get3A_69 = tpu.vector_load %arg12[%get3A_68] {strides = array<i32>} : memref<2816xf32, #tpu.memory_space<vmem>>, vector<16xf32>,
      %sub3A_70 = arith.subf %get3A_65, %get3A_57 : vector<16xf32>
      %add3A_71 = arith.constant 1.000000e+00 : f32
      %add3A_72 = vector.broadcast %add3A_71 : f32 to vector<16xf32>
      %add3A_73 = arith.addf %sub3A_70, %add3A_72 : vector<16xf32>
      %sub3A_74 = arith.subf %get3A_69, %get3A_61 : vector<16xf32>
      %add3A_75 = arith.constant 1.000000e+00 : f32
      %add3A_76 = vector.broadcast %add3A_75 : f32 to vector<16xf32>
      %add3A_77 = arith.addf %sub3A_74, %add3A_76 : vector<16xf32>
      %mul3A_78 = arith.mulf %add3A_73, %add3A_77 : vector<16xf32>
      %mul3A_79 = arith.constant 4 : i32
      %mul3A_80 = arith.muli %scan3A_21, %mul3A_79 : i32
      %add3A_81 = arith.constant 2 : i32
      %add3A_82 = arith.addi %mul3A_80, %add3A_81 : i32
      %mul3A_83 = arith.constant 16 : i32
      %mul3A_84 = arith.muli %add3A_82, %mul3A_83 : i32
      %get3A_85 = arith.index_cast %mul3A_84 : i32 to index
      %get3A_86 = tpu.vector_load %arg12[%get3A_85] {strides = array<i32>} : memref<2816xf32, #tpu.memory_space<vmem>>, vector<16xf32>,
      %add3A_87 = arith.constant 704 : i32
      %add3A_88 = arith.addi %add3A_87, %mul3A_84 : i32
      %get3A_89 = arith.index_cast %add3A_88 : i32 to index
      %get3A_90 = tpu.vector_load %arg12[%get3A_89] {strides = array<i32>} : memref<2816xf32, #tpu.memory_space<vmem>>, vector<16xf32>,
      %add3A_91 = arith.constant 1408 : i32
      %add3A_92 = arith.addi %add3A_91, %mul3A_84 : i32
      %get3A_93 = arith.index_cast %add3A_92 : i32 to index
      %get3A_94 = tpu.vector_load %arg12[%get3A_93] {strides = array<i32>} : memref<2816xf32, #tpu.memory_space<vmem>>, vector<16xf32>,
      %add3A_95 = arith.constant 2112 : i32
      %add3A_96 = arith.addi %add3A_95, %mul3A_84 : i32
      %get3A_97 = arith.index_cast %add3A_96 : i32 to index
      %get3A_98 = tpu.vector_load %arg12[%get3A_97] {strides = array<i32>} : memref<2816xf32, #tpu.memory_space<vmem>>, vector<16xf32>,
      %sub3A_99 = arith.subf %get3A_94, %get3A_86 : vector<16xf32>
      %add3A_100 = arith.constant 1.000000e+00 : f32
      %add3A_101 = vector.broadcast %add3A_100 : f32 to vector<16xf32>
      %add3A_102 = arith.addf %sub3A_99, %add3A_101 : vector<16xf32>
      %sub3A_103 = arith.subf %get3A_98, %get3A_90 : vector<16xf32>
      %add3A_104 = arith.constant 1.000000e+00 : f32
      %add3A_105 = vector.broadcast %add3A_104 : f32 to vector<16xf32>
      %add3A_106 = arith.addf %sub3A_103, %add3A_105 : vector<16xf32>
      %mul3A_107 = arith.mulf %add3A_102, %add3A_106 : vector<16xf32>
      %mul3A_108 = arith.constant 4 : i32
      %mul3A_109 = arith.muli %scan3A_21, %mul3A_108 : i32
      %add3A_110 = arith.constant 3 : i32
      %add3A_111 = arith.addi %mul3A_109, %add3A_110 : i32
      %mul3A_112 = arith.constant 16 : i32
      %mul3A_113 = arith.muli %add3A_111, %mul3A_112 : i32
      %get3A_114 = arith.index_cast %mul3A_113 : i32 to index
      %get3A_115 = tpu.vector_load %arg12[%get3A_114] {strides = array<i32>} : memref<2816xf32, #tpu.memory_space<vmem>>, vector<16xf32>,
      %add3A_116 = arith.constant 704 : i32
      %add3A_117 = arith.addi %add3A_116, %mul3A_113 : i32
      %get3A_118 = arith.index_cast %add3A_117 : i32 to index
      %get3A_119 = tpu.vector_load %arg12[%get3A_118] {strides = array<i32>} : memref<2816xf32, #tpu.memory_space<vmem>>, vector<16xf32>,
      %add3A_120 = arith.constant 1408 : i32
      %add3A_121 = arith.addi %add3A_120, %mul3A_113 : i32
      %get3A_122 = arith.index_cast %add3A_121 : i32 to index
      %get3A_123 = tpu.vector_load %arg12[%get3A_122] {strides = array<i32>} : memref<2816xf32, #tpu.memory_space<vmem>>, vector<16xf32>,
      %add3A_124 = arith.constant 2112 : i32
      %add3A_125 = arith.addi %add3A_124, %mul3A_113 : i32
      %get3A_126 = arith.index_cast %add3A_125 : i32 to index
      %get3A_127 = tpu.vector_load %arg12[%get3A_126] {strides = array<i32>} : memref<2816xf32, #tpu.memory_space<vmem>>, vector<16xf32>,
      %sub3A_128 = arith.subf %get3A_123, %get3A_115 : vector<16xf32>
      %add3A_129 = arith.constant 1.000000e+00 : f32
      %add3A_130 = vector.broadcast %add3A_129 : f32 to vector<16xf32>
      %add3A_131 = arith.addf %sub3A_128, %add3A_130 : vector<16xf32>
      %sub3A_132 = arith.subf %get3A_127, %get3A_119 : vector<16xf32>
      %add3A_133 = arith.constant 1.000000e+00 : f32
      %add3A_134 = vector.broadcast %add3A_133 : f32 to vector<16xf32>
      %add3A_135 = arith.addf %sub3A_132, %add3A_134 : vector<16xf32>
      %mul3A_136 = arith.mulf %add3A_131, %add3A_135 : vector<16xf32>
      %broadcast_in_dim3A_137 = arith.constant -1.000000e+00 : f32
      %broadcast_in_dim3A_138 = vector.broadcast %broadcast_in_dim3A_137 : f32 to vector<16xf32>
      %broadcast_in_dim3A_139 = arith.constant 0 : i32
      %broadcast_in_dim3A_140 = vector.broadcast %broadcast_in_dim3A_139 : i32 to vector<16xi32>
      %broadcast_in_dim3A_141 = arith.constant 0 : i32
      %broadcast_in_dim3A_142 = vector.broadcast %broadcast_in_dim3A_141 : i32 to vector<16xi32>
      %parallel_loop3A = arith.constant 0 : i32
      %parallel_loop3A_143 = arith.constant 64 : i32
      %parallel_loop3A_144 = arith.constant 1 : i32
      %parallel_loop3A_145:9 = scf.for %parallel_loop3A_1071 = %parallel_loop3A to %parallel_loop3A_143 step %parallel_loop3A_144 iter_args(%parallel_loop3A_1072 = %broadcast_in_dim3A_138, %parallel_loop3A_1073 = %broadcast_in_dim3A_138, %parallel_loop3A_1074 = %broadcast_in_dim3A_138, %parallel_loop3A_1075 = %broadcast_in_dim3A_138, %parallel_loop3A_1076 = %broadcast_in_dim3A_140, %parallel_loop3A_1077 = %broadcast_in_dim3A_140, %parallel_loop3A_1078 = %broadcast_in_dim3A_140, %parallel_loop3A_1079 = %broadcast_in_dim3A_140, %parallel_loop3A_1080 = %broadcast_in_dim3A_142) -> (vector<16xf32>, vector<16xf32>, vector<16xf32>, vector<16xf32>, vector<16xi32>, vector<16xi32>, vector<16xi32>, vector<16xi32>, vector<16xi32>)  : i32 {
        %parallel_loop3A_1081 = arith.constant 16 : i32
        %parallel_loop3A_1082 = arith.muli %parallel_loop3A_1071, %parallel_loop3A_1081 : i32
        %parallel_loop3A_1083 = arith.constant 0 : i32
        %parallel_loop3A_1084 = arith.addi %parallel_loop3A_1083, %parallel_loop3A_1082 : i32
        %parallel_loop3A_1085 = arith.index_cast %parallel_loop3A_1084 : i32 to index
        %parallel_loop3A_1086 = tpu.vector_load %arg10[%parallel_loop3A_1085] {strides = array<i32>} : memref<5120xf32, #tpu.memory_space<vmem>>, vector<16xf32>,
        %parallel_loop3A_1087 = arith.constant 1024 : i32
        %parallel_loop3A_1088 = arith.addi %parallel_loop3A_1087, %parallel_loop3A_1082 : i32
        %parallel_loop3A_1089 = arith.index_cast %parallel_loop3A_1088 : i32 to index
        %parallel_loop3A_1090 = tpu.vector_load %arg10[%parallel_loop3A_1089] {strides = array<i32>} : memref<5120xf32, #tpu.memory_space<vmem>>, vector<16xf32>,
        %parallel_loop3A_1091 = arith.constant 2048 : i32
        %parallel_loop3A_1092 = arith.addi %parallel_loop3A_1091, %parallel_loop3A_1082 : i32
        %parallel_loop3A_1093 = arith.index_cast %parallel_loop3A_1092 : i32 to index
        %parallel_loop3A_1094 = tpu.vector_load %arg10[%parallel_loop3A_1093] {strides = array<i32>} : memref<5120xf32, #tpu.memory_space<vmem>>, vector<16xf32>,
        %parallel_loop3A_1095 = arith.constant 3072 : i32
        %parallel_loop3A_1096 = arith.addi %parallel_loop3A_1095, %parallel_loop3A_1082 : i32
        %parallel_loop3A_1097 = arith.index_cast %parallel_loop3A_1096 : i32 to index
        %parallel_loop3A_1098 = tpu.vector_load %arg10[%parallel_loop3A_1097] {strides = array<i32>} : memref<5120xf32, #tpu.memory_space<vmem>>, vector<16xf32>,
        %parallel_loop3A_1099 = arith.index_cast %parallel_loop3A_1082 : i32 to index
        %parallel_loop3A_1100 = tpu.vector_load %arg11[%parallel_loop3A_1099] {strides = array<i32>} : memref<1024xf32, #tpu.memory_space<vmem>>, vector<16xf32>,
        %parallel_loop3A_1101 = arith.minimumf %get3A_37, %parallel_loop3A_1094 : vector<16xf32>
        %parallel_loop3A_1102 = arith.maximumf %get3A_29, %parallel_loop3A_1086 : vector<16xf32>
        %parallel_loop3A_1103 = arith.subf %parallel_loop3A_1101, %parallel_loop3A_1102 : vector<16xf32>
        %parallel_loop3A_1104 = arith.constant 1.000000e+00 : f32
        %parallel_loop3A_1105 = vector.broadcast %parallel_loop3A_1104 : f32 to vector<16xf32>
        %parallel_loop3A_1106 = arith.addf %parallel_loop3A_1103, %parallel_loop3A_1105 : vector<16xf32>
        %parallel_loop3A_1107 = arith.constant 0.000000e+00 : f32
        %parallel_loop3A_1108 = vector.broadcast %parallel_loop3A_1107 : f32 to vector<16xf32>
        %parallel_loop3A_1109 = arith.maximumf %parallel_loop3A_1106, %parallel_loop3A_1108 : vector<16xf32>
        %parallel_loop3A_1110 = arith.minimumf %get3A_41, %parallel_loop3A_1098 : vector<16xf32>
        %parallel_loop3A_1111 = arith.maximumf %get3A_33, %parallel_loop3A_1090 : vector<16xf32>
        %parallel_loop3A_1112 = arith.subf %parallel_loop3A_1110, %parallel_loop3A_1111 : vector<16xf32>
        %parallel_loop3A_1113 = arith.constant 1.000000e+00 : f32
        %parallel_loop3A_1114 = vector.broadcast %parallel_loop3A_1113 : f32 to vector<16xf32>
        %parallel_loop3A_1115 = arith.addf %parallel_loop3A_1112, %parallel_loop3A_1114 : vector<16xf32>
        %parallel_loop3A_1116 = arith.constant 0.000000e+00 : f32
        %parallel_loop3A_1117 = vector.broadcast %parallel_loop3A_1116 : f32 to vector<16xf32>
        %parallel_loop3A_1118 = arith.maximumf %parallel_loop3A_1115, %parallel_loop3A_1117 : vector<16xf32>
        %parallel_loop3A_1119 = arith.mulf %parallel_loop3A_1109, %parallel_loop3A_1118 : vector<16xf32>
        %parallel_loop3A_1120 = arith.addf %mul3A_49, %parallel_loop3A_1100 : vector<16xf32>
        %parallel_loop3A_1121 = arith.subf %parallel_loop3A_1120, %parallel_loop3A_1119 : vector<16xf32>
        %parallel_loop3A_1122 = arith.divf %parallel_loop3A_1119, %parallel_loop3A_1121 : vector<16xf32>
        %parallel_loop3A_1123 = arith.cmpf ogt, %parallel_loop3A_1122, %parallel_loop3A_1072 : vector<16xf32>
        %parallel_loop3A_1124 = arith.select %parallel_loop3A_1123, %parallel_loop3A_1122, %parallel_loop3A_1072 : vector<16xi1>, vector<16xf32>
        %parallel_loop3A_1125 = arith.select %parallel_loop3A_1123, %parallel_loop3A_1080, %parallel_loop3A_1076 : vector<16xi1>, vector<16xi32>
        %parallel_loop3A_1126 = arith.minimumf %get3A_65, %parallel_loop3A_1094 : vector<16xf32>
        %parallel_loop3A_1127 = arith.maximumf %get3A_57, %parallel_loop3A_1086 : vector<16xf32>
        %parallel_loop3A_1128 = arith.subf %parallel_loop3A_1126, %parallel_loop3A_1127 : vector<16xf32>
        %parallel_loop3A_1129 = arith.constant 1.000000e+00 : f32
        %parallel_loop3A_1130 = vector.broadcast %parallel_loop3A_1129 : f32 to vector<16xf32>
        %parallel_loop3A_1131 = arith.addf %parallel_loop3A_1128, %parallel_loop3A_1130 : vector<16xf32>
        %parallel_loop3A_1132 = arith.constant 0.000000e+00 : f32
        %parallel_loop3A_1133 = vector.broadcast %parallel_loop3A_1132 : f32 to vector<16xf32>
        %parallel_loop3A_1134 = arith.maximumf %parallel_loop3A_1131, %parallel_loop3A_1133 : vector<16xf32>
        %parallel_loop3A_1135 = arith.minimumf %get3A_69, %parallel_loop3A_1098 : vector<16xf32>
        %parallel_loop3A_1136 = arith.maximumf %get3A_61, %parallel_loop3A_1090 : vector<16xf32>
        %parallel_loop3A_1137 = arith.subf %parallel_loop3A_1135, %parallel_loop3A_1136 : vector<16xf32>
        %parallel_loop3A_1138 = arith.constant 1.000000e+00 : f32
        %parallel_loop3A_1139 = vector.broadcast %parallel_loop3A_1138 : f32 to vector<16xf32>
        %parallel_loop3A_1140 = arith.addf %parallel_loop3A_1137, %parallel_loop3A_1139 : vector<16xf32>
        %parallel_loop3A_1141 = arith.constant 0.000000e+00 : f32
        %parallel_loop3A_1142 = vector.broadcast %parallel_loop3A_1141 : f32 to vector<16xf32>
        %parallel_loop3A_1143 = arith.maximumf %parallel_loop3A_1140, %parallel_loop3A_1142 : vector<16xf32>
        %parallel_loop3A_1144 = arith.mulf %parallel_loop3A_1134, %parallel_loop3A_1143 : vector<16xf32>
        %parallel_loop3A_1145 = arith.addf %mul3A_78, %parallel_loop3A_1100 : vector<16xf32>
        %parallel_loop3A_1146 = arith.subf %parallel_loop3A_1145, %parallel_loop3A_1144 : vector<16xf32>
        %parallel_loop3A_1147 = arith.divf %parallel_loop3A_1144, %parallel_loop3A_1146 : vector<16xf32>
        %parallel_loop3A_1148 = arith.cmpf ogt, %parallel_loop3A_1147, %parallel_loop3A_1073 : vector<16xf32>
        %parallel_loop3A_1149 = arith.select %parallel_loop3A_1148, %parallel_loop3A_1147, %parallel_loop3A_1073 : vector<16xi1>, vector<16xf32>
        %parallel_loop3A_1150 = arith.select %parallel_loop3A_1148, %parallel_loop3A_1080, %parallel_loop3A_1077 : vector<16xi1>, vector<16xi32>
        %parallel_loop3A_1151 = arith.minimumf %get3A_94, %parallel_loop3A_1094 : vector<16xf32>
        %parallel_loop3A_1152 = arith.maximumf %get3A_86, %parallel_loop3A_1086 : vector<16xf32>
        %parallel_loop3A_1153 = arith.subf %parallel_loop3A_1151, %parallel_loop3A_1152 : vector<16xf32>
        %parallel_loop3A_1154 = arith.constant 1.000000e+00 : f32
        %parallel_loop3A_1155 = vector.broadcast %parallel_loop3A_1154 : f32 to vector<16xf32>
        %parallel_loop3A_1156 = arith.addf %parallel_loop3A_1153, %parallel_loop3A_1155 : vector<16xf32>
        %parallel_loop3A_1157 = arith.constant 0.000000e+00 : f32
        %parallel_loop3A_1158 = vector.broadcast %parallel_loop3A_1157 : f32 to vector<16xf32>
        %parallel_loop3A_1159 = arith.maximumf %parallel_loop3A_1156, %parallel_loop3A_1158 : vector<16xf32>
        %parallel_loop3A_1160 = arith.minimumf %get3A_98, %parallel_loop3A_1098 : vector<16xf32>
        %parallel_loop3A_1161 = arith.maximumf %get3A_90, %parallel_loop3A_1090 : vector<16xf32>
        %parallel_loop3A_1162 = arith.subf %parallel_loop3A_1160, %parallel_loop3A_1161 : vector<16xf32>
        %parallel_loop3A_1163 = arith.constant 1.000000e+00 : f32
        %parallel_loop3A_1164 = vector.broadcast %parallel_loop3A_1163 : f32 to vector<16xf32>
        %parallel_loop3A_1165 = arith.addf %parallel_loop3A_1162, %parallel_loop3A_1164 : vector<16xf32>
        %parallel_loop3A_1166 = arith.constant 0.000000e+00 : f32
        %parallel_loop3A_1167 = vector.broadcast %parallel_loop3A_1166 : f32 to vector<16xf32>
        %parallel_loop3A_1168 = arith.maximumf %parallel_loop3A_1165, %parallel_loop3A_1167 : vector<16xf32>
        %parallel_loop3A_1169 = arith.mulf %parallel_loop3A_1159, %parallel_loop3A_1168 : vector<16xf32>
        %parallel_loop3A_1170 = arith.addf %mul3A_107, %parallel_loop3A_1100 : vector<16xf32>
        %parallel_loop3A_1171 = arith.subf %parallel_loop3A_1170, %parallel_loop3A_1169 : vector<16xf32>
        %parallel_loop3A_1172 = arith.divf %parallel_loop3A_1169, %parallel_loop3A_1171 : vector<16xf32>
        %parallel_loop3A_1173 = arith.cmpf ogt, %parallel_loop3A_1172, %parallel_loop3A_1074 : vector<16xf32>
        %parallel_loop3A_1174 = arith.select %parallel_loop3A_1173, %parallel_loop3A_1172, %parallel_loop3A_1074 : vector<16xi1>, vector<16xf32>
        %parallel_loop3A_1175 = arith.select %parallel_loop3A_1173, %parallel_loop3A_1080, %parallel_loop3A_1078 : vector<16xi1>, vector<16xi32>
        %parallel_loop3A_1176 = arith.minimumf %get3A_123, %parallel_loop3A_1094 : vector<16xf32>
        %parallel_loop3A_1177 = arith.maximumf %get3A_115, %parallel_loop3A_1086 : vector<16xf32>
        %parallel_loop3A_1178 = arith.subf %parallel_loop3A_1176, %parallel_loop3A_1177 : vector<16xf32>
        %parallel_loop3A_1179 = arith.constant 1.000000e+00 : f32
        %parallel_loop3A_1180 = vector.broadcast %parallel_loop3A_1179 : f32 to vector<16xf32>
        %parallel_loop3A_1181 = arith.addf %parallel_loop3A_1178, %parallel_loop3A_1180 : vector<16xf32>
        %parallel_loop3A_1182 = arith.constant 0.000000e+00 : f32
        %parallel_loop3A_1183 = vector.broadcast %parallel_loop3A_1182 : f32 to vector<16xf32>
        %parallel_loop3A_1184 = arith.maximumf %parallel_loop3A_1181, %parallel_loop3A_1183 : vector<16xf32>
        %parallel_loop3A_1185 = arith.minimumf %get3A_127, %parallel_loop3A_1098 : vector<16xf32>
        %parallel_loop3A_1186 = arith.maximumf %get3A_119, %parallel_loop3A_1090 : vector<16xf32>
        %parallel_loop3A_1187 = arith.subf %parallel_loop3A_1185, %parallel_loop3A_1186 : vector<16xf32>
        %parallel_loop3A_1188 = arith.constant 1.000000e+00 : f32
        %parallel_loop3A_1189 = vector.broadcast %parallel_loop3A_1188 : f32 to vector<16xf32>
        %parallel_loop3A_1190 = arith.addf %parallel_loop3A_1187, %parallel_loop3A_1189 : vector<16xf32>
        %parallel_loop3A_1191 = arith.constant 0.000000e+00 : f32
        %parallel_loop3A_1192 = vector.broadcast %parallel_loop3A_1191 : f32 to vector<16xf32>
        %parallel_loop3A_1193 = arith.maximumf %parallel_loop3A_1190, %parallel_loop3A_1192 : vector<16xf32>
        %parallel_loop3A_1194 = arith.mulf %parallel_loop3A_1184, %parallel_loop3A_1193 : vector<16xf32>
        %parallel_loop3A_1195 = arith.addf %mul3A_136, %parallel_loop3A_1100 : vector<16xf32>
        %parallel_loop3A_1196 = arith.subf %parallel_loop3A_1195, %parallel_loop3A_1194 : vector<16xf32>
        %parallel_loop3A_1197 = arith.divf %parallel_loop3A_1194, %parallel_loop3A_1196 : vector<16xf32>
        %parallel_loop3A_1198 = arith.cmpf ogt, %parallel_loop3A_1197, %parallel_loop3A_1075 : vector<16xf32>
        %parallel_loop3A_1199 = arith.select %parallel_loop3A_1198, %parallel_loop3A_1197, %parallel_loop3A_1075 : vector<16xi1>, vector<16xf32>
        %parallel_loop3A_1200 = arith.select %parallel_loop3A_1198, %parallel_loop3A_1080, %parallel_loop3A_1079 : vector<16xi1>, vector<16xi32>
        %parallel_loop3A_1201 = arith.constant 1 : i32
        %parallel_loop3A_1202 = vector.broadcast %parallel_loop3A_1201 : i32 to vector<16xi32>
        %parallel_loop3A_1203 = arith.addi %parallel_loop3A_1080, %parallel_loop3A_1202 : vector<16xi32>
        scf.yield %parallel_loop3A_1124, %parallel_loop3A_1149, %parallel_loop3A_1174, %parallel_loop3A_1199, %parallel_loop3A_1125, %parallel_loop3A_1150, %parallel_loop3A_1175, %parallel_loop3A_1200, %parallel_loop3A_1203 : vector<16xf32>, vector<16xf32>, vector<16xf32>, vector<16xf32>, vector<16xi32>, vector<16xi32>, vector<16xi32>, vector<16xi32>, vector<16xi32>
      } {sc.loop_unroll_factor = 2 : i64, sc.parallel_access}
      %mul3A_146 = arith.constant 4 : i32
      %mul3A_147 = arith.muli %scan3A_21, %mul3A_146 : i32
      %add3A_148 = arith.constant 0 : i32
      %add3A_149 = arith.addi %mul3A_147, %add3A_148 : i32
      %mul3A_150 = arith.constant 16 : i32
      %mul3A_151 = arith.muli %add3A_149, %mul3A_150 : i32
      %mul3A_152 = arith.constant 16 : i32
      %mul3A_153 = vector.broadcast %mul3A_152 : i32 to vector<16xi32>
      %mul3A_154 = arith.muli %parallel_loop3A_145#4, %mul3A_153 : vector<16xi32>
      %add3A_155 = arith.addi %mul3A_154, %iota3A : vector<16xi32>
      %add3A_156 = arith.constant 0 : i32
      %add3A_157 = vector.broadcast %add3A_156 : i32 to vector<16xi32>
      %add3A_158 = arith.addi %add3A_155, %add3A_157 : vector<16xi32>
      %gather3A_159 = tpu.vector_load_idx %arg10[%add3A_158] : memref<5120xf32, #tpu.memory_space<vmem>>[vector<16xi32>], vector<16xf32>,
      %add3A_160 = arith.constant 1024 : i32
      %add3A_161 = vector.broadcast %add3A_160 : i32 to vector<16xi32>
      %add3A_162 = arith.addi %add3A_155, %add3A_161 : vector<16xi32>
      %gather3A_163 = tpu.vector_load_idx %arg10[%add3A_162] : memref<5120xf32, #tpu.memory_space<vmem>>[vector<16xi32>], vector<16xf32>,
      %add3A_164 = arith.constant 2048 : i32
      %add3A_165 = vector.broadcast %add3A_164 : i32 to vector<16xi32>
      %add3A_166 = arith.addi %add3A_155, %add3A_165 : vector<16xi32>
      %gather3A_167 = tpu.vector_load_idx %arg10[%add3A_166] : memref<5120xf32, #tpu.memory_space<vmem>>[vector<16xi32>], vector<16xf32>,
      %add3A_168 = arith.constant 3072 : i32
      %add3A_169 = vector.broadcast %add3A_168 : i32 to vector<16xi32>
      %add3A_170 = arith.addi %add3A_155, %add3A_169 : vector<16xi32>
      %gather3A_171 = tpu.vector_load_idx %arg10[%add3A_170] : memref<5120xf32, #tpu.memory_space<vmem>>[vector<16xi32>], vector<16xf32>,
      %add3A_172 = arith.constant 4096 : i32
      %add3A_173 = vector.broadcast %add3A_172 : i32 to vector<16xi32>
      %add3A_174 = arith.addi %add3A_155, %add3A_173 : vector<16xi32>
      %gather3A_175 = tpu.vector_load_idx %arg10[%add3A_174] : memref<5120xf32, #tpu.memory_space<vmem>>[vector<16xi32>], vector<16xf32>,
      %broadcast_in_dim3A_176 = arith.constant -1.000000e+00 : f32
      %broadcast_in_dim3A_177 = vector.broadcast %broadcast_in_dim3A_176 : f32 to vector<16xf32>
      %lt3A = arith.constant 4.000000e-01 : f32
      %lt3A_178 = vector.broadcast %lt3A : f32 to vector<16xf32>
      %lt3A_179 = arith.cmpf olt, %parallel_loop3A_145#0, %lt3A_178 : vector<16xf32>
      %broadcast_in_dim3A_180 = arith.constant 0.000000e+00 : f32
      %broadcast_in_dim3A_181 = vector.broadcast %broadcast_in_dim3A_180 : f32 to vector<16xf32>
      %select_n3A = arith.select %lt3A_179, %broadcast_in_dim3A_181, %broadcast_in_dim3A_177 : vector<16xi1>, vector<16xf32>
      %ge3A = arith.constant 5.000000e-01 : f32
      %ge3A_182 = vector.broadcast %ge3A : f32 to vector<16xf32>
      %ge3A_183 = arith.cmpf oge, %parallel_loop3A_145#0, %ge3A_182 : vector<16xf32>
      %broadcast_in_dim3A_184 = arith.constant 1.000000e+00 : f32
      %broadcast_in_dim3A_185 = vector.broadcast %broadcast_in_dim3A_184 : f32 to vector<16xf32>
      %select_n3A_186 = arith.select %ge3A_183, %broadcast_in_dim3A_185, %select_n3A : vector<16xi1>, vector<16xf32>
      %ge3A_187 = arith.constant 0.000000e+00 : f32
      %ge3A_188 = vector.broadcast %ge3A_187 : f32 to vector<16xf32>
      %ge3A_189 = arith.cmpf oge, %get3A_29, %ge3A_188 : vector<16xf32>
      %ge3A_190 = arith.constant 0.000000e+00 : f32
      %ge3A_191 = vector.broadcast %ge3A_190 : f32 to vector<16xf32>
      %ge3A_192 = arith.cmpf oge, %get3A_33, %ge3A_191 : vector<16xf32>
      %and3A = arith.andi %ge3A_189, %ge3A_192 : vector<16xi1>
      %lt3A_193 = arith.cmpf olt, %get3A_37, %gather3A_11 : vector<16xf32>
      %and3A_194 = arith.andi %and3A, %lt3A_193 : vector<16xi1>
      %lt3A_195 = arith.cmpf olt, %get3A_41, %gather3A : vector<16xf32>
      %and3A_196 = arith.andi %and3A_194, %lt3A_195 : vector<16xi1>
      %broadcast_in_dim3A_197 = arith.constant -1.000000e+00 : f32
      %broadcast_in_dim3A_198 = vector.broadcast %broadcast_in_dim3A_197 : f32 to vector<16xf32>
      %select_n3A_199 = arith.select %and3A_196, %select_n3A_186, %broadcast_in_dim3A_198 : vector<16xi1>, vector<16xf32>
      %eq3A = arith.constant 1.000000e+00 : f32
      %eq3A_200 = vector.broadcast %eq3A : f32 to vector<16xf32>
      %eq3A_201 = arith.cmpf oeq, %select_n3A_199, %eq3A_200 : vector<16xf32>
      %select_n3A_202 = arith.select %eq3A_201, %gather3A_175, %select_n3A_199 : vector<16xi1>, vector<16xf32>
      %swap3A = arith.index_cast %mul3A_151 : i32 to index
      %swap3A_203 = tpu.vector_load %arg13[%swap3A] {strides = array<i32>} : memref<3520xf32, #tpu.memory_space<vmem>>, vector<16xf32>,
      tpu.vector_store %arg13[%swap3A], %select_n3A_202 {strides = array<i32>} : memref<3520xf32, #tpu.memory_space<vmem>>, vector<16xf32>,
      %sub3A_204 = arith.subf %get3A_37, %get3A_29 : vector<16xf32>
      %add3A_205 = arith.constant 1.000000e+00 : f32
      %add3A_206 = vector.broadcast %add3A_205 : f32 to vector<16xf32>
      %add3A_207 = arith.addf %sub3A_204, %add3A_206 : vector<16xf32>
      %sub3A_208 = arith.subf %get3A_41, %get3A_33 : vector<16xf32>
      %add3A_209 = arith.constant 1.000000e+00 : f32
      %add3A_210 = vector.broadcast %add3A_209 : f32 to vector<16xf32>
      %add3A_211 = arith.addf %sub3A_208, %add3A_210 : vector<16xf32>
      %sub3A_212 = arith.subf %gather3A_167, %gather3A_159 : vector<16xf32>
      %add3A_213 = arith.constant 1.000000e+00 : f32
      %add3A_214 = vector.broadcast %add3A_213 : f32 to vector<16xf32>
      %add3A_215 = arith.addf %sub3A_212, %add3A_214 : vector<16xf32>
      %sub3A_216 = arith.subf %gather3A_171, %gather3A_163 : vector<16xf32>
      %add3A_217 = arith.constant 1.000000e+00 : f32
      %add3A_218 = vector.broadcast %add3A_217 : f32 to vector<16xf32>
      %add3A_219 = arith.addf %sub3A_216, %add3A_218 : vector<16xf32>
      %mul3A_220 = arith.constant 5.000000e-01 : f32
      %mul3A_221 = vector.broadcast %mul3A_220 : f32 to vector<16xf32>
      %mul3A_222 = arith.mulf %mul3A_221, %add3A_207 : vector<16xf32>
      %add3A_223 = arith.addf %get3A_29, %mul3A_222 : vector<16xf32>
      %mul3A_224 = arith.constant 5.000000e-01 : f32
      %mul3A_225 = vector.broadcast %mul3A_224 : f32 to vector<16xf32>
      %mul3A_226 = arith.mulf %mul3A_225, %add3A_211 : vector<16xf32>
      %add3A_227 = arith.addf %get3A_33, %mul3A_226 : vector<16xf32>
      %mul3A_228 = arith.constant 5.000000e-01 : f32
      %mul3A_229 = vector.broadcast %mul3A_228 : f32 to vector<16xf32>
      %mul3A_230 = arith.mulf %mul3A_229, %add3A_215 : vector<16xf32>
      %add3A_231 = arith.addf %gather3A_159, %mul3A_230 : vector<16xf32>
      %mul3A_232 = arith.constant 5.000000e-01 : f32
      %mul3A_233 = vector.broadcast %mul3A_232 : f32 to vector<16xf32>
      %mul3A_234 = arith.mulf %mul3A_233, %add3A_219 : vector<16xf32>
      %add3A_235 = arith.addf %gather3A_163, %mul3A_234 : vector<16xf32>
      %sub3A_236 = arith.subf %add3A_231, %add3A_223 : vector<16xf32>
      %div3A = arith.divf %sub3A_236, %add3A_207 : vector<16xf32>
      %add3A_237 = arith.constant 704 : i32
      %add3A_238 = arith.addi %add3A_237, %mul3A_151 : i32
      %swap3A_239 = arith.index_cast %add3A_238 : i32 to index
      %swap3A_240 = tpu.vector_load %arg13[%swap3A_239] {strides = array<i32>} : memref<3520xf32, #tpu.memory_space<vmem>>, vector<16xf32>,
      tpu.vector_store %arg13[%swap3A_239], %div3A {strides = array<i32>} : memref<3520xf32, #tpu.memory_space<vmem>>, vector<16xf32>,
      %sub3A_241 = arith.subf %add3A_235, %add3A_227 : vector<16xf32>
      %div3A_242 = arith.divf %sub3A_241, %add3A_211 : vector<16xf32>
      %add3A_243 = arith.constant 1408 : i32
      %add3A_244 = arith.addi %add3A_243, %mul3A_151 : i32
      %swap3A_245 = arith.index_cast %add3A_244 : i32 to index
      %swap3A_246 = tpu.vector_load %arg13[%swap3A_245] {strides = array<i32>} : memref<3520xf32, #tpu.memory_space<vmem>>, vector<16xf32>,
      tpu.vector_store %arg13[%swap3A_245], %div3A_242 {strides = array<i32>} : memref<3520xf32, #tpu.memory_space<vmem>>, vector<16xf32>,
      %div3A_247 = arith.divf %add3A_215, %add3A_207 : vector<16xf32>
      %bitcast_convert_type3A = tpu.bitcast %div3A_247 : vector<16xf32> -> vector<16xi32>
      %broadcast_in_dim3A_248 = arith.constant 23 : i32
      %broadcast_in_dim3A_249 = vector.broadcast %broadcast_in_dim3A_248 : i32 to vector<16xi32>
      %shift_right_logical3A = arith.shrui %bitcast_convert_type3A, %broadcast_in_dim3A_249 : vector<16xi32>
      %broadcast_in_dim3A_250 = arith.constant 127 : i32
      %broadcast_in_dim3A_251 = vector.broadcast %broadcast_in_dim3A_250 : i32 to vector<16xi32>
      %sub3A_252 = arith.subi %shift_right_logical3A, %broadcast_in_dim3A_251 : vector<16xi32>
      %broadcast_in_dim3A_253 = arith.constant 8388607 : i32
      %broadcast_in_dim3A_254 = vector.broadcast %broadcast_in_dim3A_253 : i32 to vector<16xi32>
      %and3A_255 = arith.andi %bitcast_convert_type3A, %broadcast_in_dim3A_254 : vector<16xi32>
      %broadcast_in_dim3A_256 = arith.constant 1065353216 : i32
      %broadcast_in_dim3A_257 = vector.broadcast %broadcast_in_dim3A_256 : i32 to vector<16xi32>
      %or3A = arith.ori %and3A_255, %broadcast_in_dim3A_257 : vector<16xi32>
      %bitcast_convert_type3A_258 = tpu.bitcast %or3A : vector<16xi32> -> vector<16xf32>
      %broadcast_in_dim3A_259 = arith.constant 1.41421354 : f32
      %broadcast_in_dim3A_260 = vector.broadcast %broadcast_in_dim3A_259 : f32 to vector<16xf32>
      %gt3A = arith.cmpf ogt, %bitcast_convert_type3A_258, %broadcast_in_dim3A_260 : vector<16xf32>
      %mul3A_261 = arith.constant 5.000000e-01 : f32
      %mul3A_262 = vector.broadcast %mul3A_261 : f32 to vector<16xf32>
      %mul3A_263 = arith.mulf %bitcast_convert_type3A_258, %mul3A_262 : vector<16xf32>
      %select_n3A_264 = arith.select %gt3A, %mul3A_263, %bitcast_convert_type3A_258 : vector<16xi1>, vector<16xf32>
      %convert_element_type3A = arith.sitofp %sub3A_252 : vector<16xi32> to vector<16xf32>
      %broadcast_in_dim3A_265 = arith.constant 1.000000e+00 : f32
      %broadcast_in_dim3A_266 = vector.broadcast %broadcast_in_dim3A_265 : f32 to vector<16xf32>
      %broadcast_in_dim3A_267 = arith.constant 0.000000e+00 : f32
      %broadcast_in_dim3A_268 = vector.broadcast %broadcast_in_dim3A_267 : f32 to vector<16xf32>
      %select_n3A_269 = arith.select %gt3A, %broadcast_in_dim3A_266, %broadcast_in_dim3A_268 : vector<16xi1>, vector<16xf32>
      %add3A_270 = arith.addf %convert_element_type3A, %select_n3A_269 : vector<16xf32>
      %sub3A_271 = arith.constant 1.000000e+00 : f32
      %sub3A_272 = vector.broadcast %sub3A_271 : f32 to vector<16xf32>
      %sub3A_273 = arith.subf %select_n3A_264, %sub3A_272 : vector<16xf32>
      %add3A_274 = arith.constant 1.000000e+00 : f32
      %add3A_275 = vector.broadcast %add3A_274 : f32 to vector<16xf32>
      %add3A_276 = arith.addf %select_n3A_264, %add3A_275 : vector<16xf32>
      %div3A_277 = arith.divf %sub3A_273, %add3A_276 : vector<16xf32>
      %mul3A_278 = arith.mulf %div3A_277, %div3A_277 : vector<16xf32>
      %mul3A_279 = arith.constant 0.111111112 : f32
      %mul3A_280 = vector.broadcast %mul3A_279 : f32 to vector<16xf32>
      %mul3A_281 = arith.mulf %mul3A_278, %mul3A_280 : vector<16xf32>
      %add3A_282 = arith.constant 0.142857149 : f32
      %add3A_283 = vector.broadcast %add3A_282 : f32 to vector<16xf32>
      %add3A_284 = arith.addf %add3A_283, %mul3A_281 : vector<16xf32>
      %mul3A_285 = arith.mulf %mul3A_278, %add3A_284 : vector<16xf32>
      %add3A_286 = arith.constant 2.000000e-01 : f32
      %add3A_287 = vector.broadcast %add3A_286 : f32 to vector<16xf32>
      %add3A_288 = arith.addf %add3A_287, %mul3A_285 : vector<16xf32>
      %mul3A_289 = arith.mulf %mul3A_278, %add3A_288 : vector<16xf32>
      %add3A_290 = arith.constant 0.333333343 : f32
      %add3A_291 = vector.broadcast %add3A_290 : f32 to vector<16xf32>
      %add3A_292 = arith.addf %add3A_291, %mul3A_289 : vector<16xf32>
      %mul3A_293 = arith.mulf %mul3A_278, %add3A_292 : vector<16xf32>
      %add3A_294 = arith.addf %div3A_277, %div3A_277 : vector<16xf32>
      %mul3A_295 = arith.constant 0.693147182 : f32
      %mul3A_296 = vector.broadcast %mul3A_295 : f32 to vector<16xf32>
      %mul3A_297 = arith.mulf %add3A_270, %mul3A_296 : vector<16xf32>
      %mul3A_298 = arith.mulf %add3A_294, %mul3A_293 : vector<16xf32>
      %add3A_299 = arith.addf %add3A_294, %mul3A_298 : vector<16xf32>
      %add3A_300 = arith.addf %mul3A_297, %add3A_299 : vector<16xf32>
      %add3A_301 = arith.constant 2112 : i32
      %add3A_302 = arith.addi %add3A_301, %mul3A_151 : i32
      %swap3A_303 = arith.index_cast %add3A_302 : i32 to index
      %swap3A_304 = tpu.vector_load %arg13[%swap3A_303] {strides = array<i32>} : memref<3520xf32, #tpu.memory_space<vmem>>, vector<16xf32>,
      tpu.vector_store %arg13[%swap3A_303], %add3A_300 {strides = array<i32>} : memref<3520xf32, #tpu.memory_space<vmem>>, vector<16xf32>,
      %div3A_305 = arith.divf %add3A_219, %add3A_211 : vector<16xf32>
      %bitcast_convert_type3A_306 = tpu.bitcast %div3A_305 : vector<16xf32> -> vector<16xi32>
      %broadcast_in_dim3A_307 = arith.constant 23 : i32
      %broadcast_in_dim3A_308 = vector.broadcast %broadcast_in_dim3A_307 : i32 to vector<16xi32>
      %shift_right_logical3A_309 = arith.shrui %bitcast_convert_type3A_306, %broadcast_in_dim3A_308 : vector<16xi32>
      %broadcast_in_dim3A_310 = arith.constant 127 : i32
      %broadcast_in_dim3A_311 = vector.broadcast %broadcast_in_dim3A_310 : i32 to vector<16xi32>
      %sub3A_312 = arith.subi %shift_right_logical3A_309, %broadcast_in_dim3A_311 : vector<16xi32>
      %broadcast_in_dim3A_313 = arith.constant 8388607 : i32
      %broadcast_in_dim3A_314 = vector.broadcast %broadcast_in_dim3A_313 : i32 to vector<16xi32>
      %and3A_315 = arith.andi %bitcast_convert_type3A_306, %broadcast_in_dim3A_314 : vector<16xi32>
      %broadcast_in_dim3A_316 = arith.constant 1065353216 : i32
      %broadcast_in_dim3A_317 = vector.broadcast %broadcast_in_dim3A_316 : i32 to vector<16xi32>
      %or3A_318 = arith.ori %and3A_315, %broadcast_in_dim3A_317 : vector<16xi32>
      %bitcast_convert_type3A_319 = tpu.bitcast %or3A_318 : vector<16xi32> -> vector<16xf32>
      %broadcast_in_dim3A_320 = arith.constant 1.41421354 : f32
      %broadcast_in_dim3A_321 = vector.broadcast %broadcast_in_dim3A_320 : f32 to vector<16xf32>
      %gt3A_322 = arith.cmpf ogt, %bitcast_convert_type3A_319, %broadcast_in_dim3A_321 : vector<16xf32>
      %mul3A_323 = arith.constant 5.000000e-01 : f32
      %mul3A_324 = vector.broadcast %mul3A_323 : f32 to vector<16xf32>
      %mul3A_325 = arith.mulf %bitcast_convert_type3A_319, %mul3A_324 : vector<16xf32>
      %select_n3A_326 = arith.select %gt3A_322, %mul3A_325, %bitcast_convert_type3A_319 : vector<16xi1>, vector<16xf32>
      %convert_element_type3A_327 = arith.sitofp %sub3A_312 : vector<16xi32> to vector<16xf32>
      %broadcast_in_dim3A_328 = arith.constant 1.000000e+00 : f32
      %broadcast_in_dim3A_329 = vector.broadcast %broadcast_in_dim3A_328 : f32 to vector<16xf32>
      %broadcast_in_dim3A_330 = arith.constant 0.000000e+00 : f32
      %broadcast_in_dim3A_331 = vector.broadcast %broadcast_in_dim3A_330 : f32 to vector<16xf32>
      %select_n3A_332 = arith.select %gt3A_322, %broadcast_in_dim3A_329, %broadcast_in_dim3A_331 : vector<16xi1>, vector<16xf32>
      %add3A_333 = arith.addf %convert_element_type3A_327, %select_n3A_332 : vector<16xf32>
      %sub3A_334 = arith.constant 1.000000e+00 : f32
      %sub3A_335 = vector.broadcast %sub3A_334 : f32 to vector<16xf32>
      %sub3A_336 = arith.subf %select_n3A_326, %sub3A_335 : vector<16xf32>
      %add3A_337 = arith.constant 1.000000e+00 : f32
      %add3A_338 = vector.broadcast %add3A_337 : f32 to vector<16xf32>
      %add3A_339 = arith.addf %select_n3A_326, %add3A_338 : vector<16xf32>
      %div3A_340 = arith.divf %sub3A_336, %add3A_339 : vector<16xf32>
      %mul3A_341 = arith.mulf %div3A_340, %div3A_340 : vector<16xf32>
      %mul3A_342 = arith.constant 0.111111112 : f32
      %mul3A_343 = vector.broadcast %mul3A_342 : f32 to vector<16xf32>
      %mul3A_344 = arith.mulf %mul3A_341, %mul3A_343 : vector<16xf32>
      %add3A_345 = arith.constant 0.142857149 : f32
      %add3A_346 = vector.broadcast %add3A_345 : f32 to vector<16xf32>
      %add3A_347 = arith.addf %add3A_346, %mul3A_344 : vector<16xf32>
      %mul3A_348 = arith.mulf %mul3A_341, %add3A_347 : vector<16xf32>
      %add3A_349 = arith.constant 2.000000e-01 : f32
      %add3A_350 = vector.broadcast %add3A_349 : f32 to vector<16xf32>
      %add3A_351 = arith.addf %add3A_350, %mul3A_348 : vector<16xf32>
      %mul3A_352 = arith.mulf %mul3A_341, %add3A_351 : vector<16xf32>
      %add3A_353 = arith.constant 0.333333343 : f32
      %add3A_354 = vector.broadcast %add3A_353 : f32 to vector<16xf32>
      %add3A_355 = arith.addf %add3A_354, %mul3A_352 : vector<16xf32>
      %mul3A_356 = arith.mulf %mul3A_341, %add3A_355 : vector<16xf32>
      %add3A_357 = arith.addf %div3A_340, %div3A_340 : vector<16xf32>
      %mul3A_358 = arith.constant 0.693147182 : f32
      %mul3A_359 = vector.broadcast %mul3A_358 : f32 to vector<16xf32>
      %mul3A_360 = arith.mulf %add3A_333, %mul3A_359 : vector<16xf32>
      %mul3A_361 = arith.mulf %add3A_357, %mul3A_356 : vector<16xf32>
      %add3A_362 = arith.addf %add3A_357, %mul3A_361 : vector<16xf32>
      %add3A_363 = arith.addf %mul3A_360, %add3A_362 : vector<16xf32>
      %add3A_364 = arith.constant 2816 : i32
      %add3A_365 = arith.addi %add3A_364, %mul3A_151 : i32
      %swap3A_366 = arith.index_cast %add3A_365 : i32 to index
      %swap3A_367 = tpu.vector_load %arg13[%swap3A_366] {strides = array<i32>} : memref<3520xf32, #tpu.memory_space<vmem>>, vector<16xf32>,
      tpu.vector_store %arg13[%swap3A_366], %add3A_363 {strides = array<i32>} : memref<3520xf32, #tpu.memory_space<vmem>>, vector<16xf32>,
      %mul3A_368 = arith.constant 4 : i32
      %mul3A_369 = arith.muli %scan3A_21, %mul3A_368 : i32
      %add3A_370 = arith.constant 1 : i32
      %add3A_371 = arith.addi %mul3A_369, %add3A_370 : i32
      %mul3A_372 = arith.constant 16 : i32
      %mul3A_373 = arith.muli %add3A_371, %mul3A_372 : i32
      %mul3A_374 = arith.constant 16 : i32
      %mul3A_375 = vector.broadcast %mul3A_374 : i32 to vector<16xi32>
      %mul3A_376 = arith.muli %parallel_loop3A_145#5, %mul3A_375 : vector<16xi32>
      %add3A_377 = arith.addi %mul3A_376, %iota3A : vector<16xi32>
      %add3A_378 = arith.constant 0 : i32
      %add3A_379 = vector.broadcast %add3A_378 : i32 to vector<16xi32>
      %add3A_380 = arith.addi %add3A_377, %add3A_379 : vector<16xi32>
      %gather3A_381 = tpu.vector_load_idx %arg10[%add3A_380] : memref<5120xf32, #tpu.memory_space<vmem>>[vector<16xi32>], vector<16xf32>,
      %add3A_382 = arith.constant 1024 : i32
      %add3A_383 = vector.broadcast %add3A_382 : i32 to vector<16xi32>
      %add3A_384 = arith.addi %add3A_377, %add3A_383 : vector<16xi32>
      %gather3A_385 = tpu.vector_load_idx %arg10[%add3A_384] : memref<5120xf32, #tpu.memory_space<vmem>>[vector<16xi32>], vector<16xf32>,
      %add3A_386 = arith.constant 2048 : i32
      %add3A_387 = vector.broadcast %add3A_386 : i32 to vector<16xi32>
      %add3A_388 = arith.addi %add3A_377, %add3A_387 : vector<16xi32>
      %gather3A_389 = tpu.vector_load_idx %arg10[%add3A_388] : memref<5120xf32, #tpu.memory_space<vmem>>[vector<16xi32>], vector<16xf32>,
      %add3A_390 = arith.constant 3072 : i32
      %add3A_391 = vector.broadcast %add3A_390 : i32 to vector<16xi32>
      %add3A_392 = arith.addi %add3A_377, %add3A_391 : vector<16xi32>
      %gather3A_393 = tpu.vector_load_idx %arg10[%add3A_392] : memref<5120xf32, #tpu.memory_space<vmem>>[vector<16xi32>], vector<16xf32>,
      %add3A_394 = arith.constant 4096 : i32
      %add3A_395 = vector.broadcast %add3A_394 : i32 to vector<16xi32>
      %add3A_396 = arith.addi %add3A_377, %add3A_395 : vector<16xi32>
      %gather3A_397 = tpu.vector_load_idx %arg10[%add3A_396] : memref<5120xf32, #tpu.memory_space<vmem>>[vector<16xi32>], vector<16xf32>,
      %broadcast_in_dim3A_398 = arith.constant -1.000000e+00 : f32
      %broadcast_in_dim3A_399 = vector.broadcast %broadcast_in_dim3A_398 : f32 to vector<16xf32>
      %lt3A_400 = arith.constant 4.000000e-01 : f32
      %lt3A_401 = vector.broadcast %lt3A_400 : f32 to vector<16xf32>
      %lt3A_402 = arith.cmpf olt, %parallel_loop3A_145#1, %lt3A_401 : vector<16xf32>
      %broadcast_in_dim3A_403 = arith.constant 0.000000e+00 : f32
      %broadcast_in_dim3A_404 = vector.broadcast %broadcast_in_dim3A_403 : f32 to vector<16xf32>
      %select_n3A_405 = arith.select %lt3A_402, %broadcast_in_dim3A_404, %broadcast_in_dim3A_399 : vector<16xi1>, vector<16xf32>
      %ge3A_406 = arith.constant 5.000000e-01 : f32
      %ge3A_407 = vector.broadcast %ge3A_406 : f32 to vector<16xf32>
      %ge3A_408 = arith.cmpf oge, %parallel_loop3A_145#1, %ge3A_407 : vector<16xf32>
      %broadcast_in_dim3A_409 = arith.constant 1.000000e+00 : f32
      %broadcast_in_dim3A_410 = vector.broadcast %broadcast_in_dim3A_409 : f32 to vector<16xf32>
      %select_n3A_411 = arith.select %ge3A_408, %broadcast_in_dim3A_410, %select_n3A_405 : vector<16xi1>, vector<16xf32>
      %ge3A_412 = arith.constant 0.000000e+00 : f32
      %ge3A_413 = vector.broadcast %ge3A_412 : f32 to vector<16xf32>
      %ge3A_414 = arith.cmpf oge, %get3A_57, %ge3A_413 : vector<16xf32>
      %ge3A_415 = arith.constant 0.000000e+00 : f32
      %ge3A_416 = vector.broadcast %ge3A_415 : f32 to vector<16xf32>
      %ge3A_417 = arith.cmpf oge, %get3A_61, %ge3A_416 : vector<16xf32>
      %and3A_418 = arith.andi %ge3A_414, %ge3A_417 : vector<16xi1>
      %lt3A_419 = arith.cmpf olt, %get3A_65, %gather3A_11 : vector<16xf32>
      %and3A_420 = arith.andi %and3A_418, %lt3A_419 : vector<16xi1>
      %lt3A_421 = arith.cmpf olt, %get3A_69, %gather3A : vector<16xf32>
      %and3A_422 = arith.andi %and3A_420, %lt3A_421 : vector<16xi1>
      %broadcast_in_dim3A_423 = arith.constant -1.000000e+00 : f32
      %broadcast_in_dim3A_424 = vector.broadcast %broadcast_in_dim3A_423 : f32 to vector<16xf32>
      %select_n3A_425 = arith.select %and3A_422, %select_n3A_411, %broadcast_in_dim3A_424 : vector<16xi1>, vector<16xf32>
      %eq3A_426 = arith.constant 1.000000e+00 : f32
      %eq3A_427 = vector.broadcast %eq3A_426 : f32 to vector<16xf32>
      %eq3A_428 = arith.cmpf oeq, %select_n3A_425, %eq3A_427 : vector<16xf32>
      %select_n3A_429 = arith.select %eq3A_428, %gather3A_397, %select_n3A_425 : vector<16xi1>, vector<16xf32>
      %swap3A_430 = arith.index_cast %mul3A_373 : i32 to index
      %swap3A_431 = tpu.vector_load %arg13[%swap3A_430] {strides = array<i32>} : memref<3520xf32, #tpu.memory_space<vmem>>, vector<16xf32>,
      tpu.vector_store %arg13[%swap3A_430], %select_n3A_429 {strides = array<i32>} : memref<3520xf32, #tpu.memory_space<vmem>>, vector<16xf32>,
      %sub3A_432 = arith.subf %get3A_65, %get3A_57 : vector<16xf32>
      %add3A_433 = arith.constant 1.000000e+00 : f32
      %add3A_434 = vector.broadcast %add3A_433 : f32 to vector<16xf32>
      %add3A_435 = arith.addf %sub3A_432, %add3A_434 : vector<16xf32>
      %sub3A_436 = arith.subf %get3A_69, %get3A_61 : vector<16xf32>
      %add3A_437 = arith.constant 1.000000e+00 : f32
      %add3A_438 = vector.broadcast %add3A_437 : f32 to vector<16xf32>
      %add3A_439 = arith.addf %sub3A_436, %add3A_438 : vector<16xf32>
      %sub3A_440 = arith.subf %gather3A_389, %gather3A_381 : vector<16xf32>
      %add3A_441 = arith.constant 1.000000e+00 : f32
      %add3A_442 = vector.broadcast %add3A_441 : f32 to vector<16xf32>
      %add3A_443 = arith.addf %sub3A_440, %add3A_442 : vector<16xf32>
      %sub3A_444 = arith.subf %gather3A_393, %gather3A_385 : vector<16xf32>
      %add3A_445 = arith.constant 1.000000e+00 : f32
      %add3A_446 = vector.broadcast %add3A_445 : f32 to vector<16xf32>
      %add3A_447 = arith.addf %sub3A_444, %add3A_446 : vector<16xf32>
      %mul3A_448 = arith.constant 5.000000e-01 : f32
      %mul3A_449 = vector.broadcast %mul3A_448 : f32 to vector<16xf32>
      %mul3A_450 = arith.mulf %mul3A_449, %add3A_435 : vector<16xf32>
      %add3A_451 = arith.addf %get3A_57, %mul3A_450 : vector<16xf32>
      %mul3A_452 = arith.constant 5.000000e-01 : f32
      %mul3A_453 = vector.broadcast %mul3A_452 : f32 to vector<16xf32>
      %mul3A_454 = arith.mulf %mul3A_453, %add3A_439 : vector<16xf32>
      %add3A_455 = arith.addf %get3A_61, %mul3A_454 : vector<16xf32>
      %mul3A_456 = arith.constant 5.000000e-01 : f32
      %mul3A_457 = vector.broadcast %mul3A_456 : f32 to vector<16xf32>
      %mul3A_458 = arith.mulf %mul3A_457, %add3A_443 : vector<16xf32>
      %add3A_459 = arith.addf %gather3A_381, %mul3A_458 : vector<16xf32>
      %mul3A_460 = arith.constant 5.000000e-01 : f32
      %mul3A_461 = vector.broadcast %mul3A_460 : f32 to vector<16xf32>
      %mul3A_462 = arith.mulf %mul3A_461, %add3A_447 : vector<16xf32>
      %add3A_463 = arith.addf %gather3A_385, %mul3A_462 : vector<16xf32>
      %sub3A_464 = arith.subf %add3A_459, %add3A_451 : vector<16xf32>
      %div3A_465 = arith.divf %sub3A_464, %add3A_435 : vector<16xf32>
      %add3A_466 = arith.constant 704 : i32
      %add3A_467 = arith.addi %add3A_466, %mul3A_373 : i32
      %swap3A_468 = arith.index_cast %add3A_467 : i32 to index
      %swap3A_469 = tpu.vector_load %arg13[%swap3A_468] {strides = array<i32>} : memref<3520xf32, #tpu.memory_space<vmem>>, vector<16xf32>,
      tpu.vector_store %arg13[%swap3A_468], %div3A_465 {strides = array<i32>} : memref<3520xf32, #tpu.memory_space<vmem>>, vector<16xf32>,
      %sub3A_470 = arith.subf %add3A_463, %add3A_455 : vector<16xf32>
      %div3A_471 = arith.divf %sub3A_470, %add3A_439 : vector<16xf32>
      %add3A_472 = arith.constant 1408 : i32
      %add3A_473 = arith.addi %add3A_472, %mul3A_373 : i32
      %swap3A_474 = arith.index_cast %add3A_473 : i32 to index
      %swap3A_475 = tpu.vector_load %arg13[%swap3A_474] {strides = array<i32>} : memref<3520xf32, #tpu.memory_space<vmem>>, vector<16xf32>,
      tpu.vector_store %arg13[%swap3A_474], %div3A_471 {strides = array<i32>} : memref<3520xf32, #tpu.memory_space<vmem>>, vector<16xf32>,
      %div3A_476 = arith.divf %add3A_443, %add3A_435 : vector<16xf32>
      %bitcast_convert_type3A_477 = tpu.bitcast %div3A_476 : vector<16xf32> -> vector<16xi32>
      %broadcast_in_dim3A_478 = arith.constant 23 : i32
      %broadcast_in_dim3A_479 = vector.broadcast %broadcast_in_dim3A_478 : i32 to vector<16xi32>
      %shift_right_logical3A_480 = arith.shrui %bitcast_convert_type3A_477, %broadcast_in_dim3A_479 : vector<16xi32>
      %broadcast_in_dim3A_481 = arith.constant 127 : i32
      %broadcast_in_dim3A_482 = vector.broadcast %broadcast_in_dim3A_481 : i32 to vector<16xi32>
      %sub3A_483 = arith.subi %shift_right_logical3A_480, %broadcast_in_dim3A_482 : vector<16xi32>
      %broadcast_in_dim3A_484 = arith.constant 8388607 : i32
      %broadcast_in_dim3A_485 = vector.broadcast %broadcast_in_dim3A_484 : i32 to vector<16xi32>
      %and3A_486 = arith.andi %bitcast_convert_type3A_477, %broadcast_in_dim3A_485 : vector<16xi32>
      %broadcast_in_dim3A_487 = arith.constant 1065353216 : i32
      %broadcast_in_dim3A_488 = vector.broadcast %broadcast_in_dim3A_487 : i32 to vector<16xi32>
      %or3A_489 = arith.ori %and3A_486, %broadcast_in_dim3A_488 : vector<16xi32>
      %bitcast_convert_type3A_490 = tpu.bitcast %or3A_489 : vector<16xi32> -> vector<16xf32>
      %broadcast_in_dim3A_491 = arith.constant 1.41421354 : f32
      %broadcast_in_dim3A_492 = vector.broadcast %broadcast_in_dim3A_491 : f32 to vector<16xf32>
      %gt3A_493 = arith.cmpf ogt, %bitcast_convert_type3A_490, %broadcast_in_dim3A_492 : vector<16xf32>
      %mul3A_494 = arith.constant 5.000000e-01 : f32
      %mul3A_495 = vector.broadcast %mul3A_494 : f32 to vector<16xf32>
      %mul3A_496 = arith.mulf %bitcast_convert_type3A_490, %mul3A_495 : vector<16xf32>
      %select_n3A_497 = arith.select %gt3A_493, %mul3A_496, %bitcast_convert_type3A_490 : vector<16xi1>, vector<16xf32>
      %convert_element_type3A_498 = arith.sitofp %sub3A_483 : vector<16xi32> to vector<16xf32>
      %broadcast_in_dim3A_499 = arith.constant 1.000000e+00 : f32
      %broadcast_in_dim3A_500 = vector.broadcast %broadcast_in_dim3A_499 : f32 to vector<16xf32>
      %broadcast_in_dim3A_501 = arith.constant 0.000000e+00 : f32
      %broadcast_in_dim3A_502 = vector.broadcast %broadcast_in_dim3A_501 : f32 to vector<16xf32>
      %select_n3A_503 = arith.select %gt3A_493, %broadcast_in_dim3A_500, %broadcast_in_dim3A_502 : vector<16xi1>, vector<16xf32>
      %add3A_504 = arith.addf %convert_element_type3A_498, %select_n3A_503 : vector<16xf32>
      %sub3A_505 = arith.constant 1.000000e+00 : f32
      %sub3A_506 = vector.broadcast %sub3A_505 : f32 to vector<16xf32>
      %sub3A_507 = arith.subf %select_n3A_497, %sub3A_506 : vector<16xf32>
      %add3A_508 = arith.constant 1.000000e+00 : f32
      %add3A_509 = vector.broadcast %add3A_508 : f32 to vector<16xf32>
      %add3A_510 = arith.addf %select_n3A_497, %add3A_509 : vector<16xf32>
      %div3A_511 = arith.divf %sub3A_507, %add3A_510 : vector<16xf32>
      %mul3A_512 = arith.mulf %div3A_511, %div3A_511 : vector<16xf32>
      %mul3A_513 = arith.constant 0.111111112 : f32
      %mul3A_514 = vector.broadcast %mul3A_513 : f32 to vector<16xf32>
      %mul3A_515 = arith.mulf %mul3A_512, %mul3A_514 : vector<16xf32>
      %add3A_516 = arith.constant 0.142857149 : f32
      %add3A_517 = vector.broadcast %add3A_516 : f32 to vector<16xf32>
      %add3A_518 = arith.addf %add3A_517, %mul3A_515 : vector<16xf32>
      %mul3A_519 = arith.mulf %mul3A_512, %add3A_518 : vector<16xf32>
      %add3A_520 = arith.constant 2.000000e-01 : f32
      %add3A_521 = vector.broadcast %add3A_520 : f32 to vector<16xf32>
      %add3A_522 = arith.addf %add3A_521, %mul3A_519 : vector<16xf32>
      %mul3A_523 = arith.mulf %mul3A_512, %add3A_522 : vector<16xf32>
      %add3A_524 = arith.constant 0.333333343 : f32
      %add3A_525 = vector.broadcast %add3A_524 : f32 to vector<16xf32>
      %add3A_526 = arith.addf %add3A_525, %mul3A_523 : vector<16xf32>
      %mul3A_527 = arith.mulf %mul3A_512, %add3A_526 : vector<16xf32>
      %add3A_528 = arith.addf %div3A_511, %div3A_511 : vector<16xf32>
      %mul3A_529 = arith.constant 0.693147182 : f32
      %mul3A_530 = vector.broadcast %mul3A_529 : f32 to vector<16xf32>
      %mul3A_531 = arith.mulf %add3A_504, %mul3A_530 : vector<16xf32>
      %mul3A_532 = arith.mulf %add3A_528, %mul3A_527 : vector<16xf32>
      %add3A_533 = arith.addf %add3A_528, %mul3A_532 : vector<16xf32>
      %add3A_534 = arith.addf %mul3A_531, %add3A_533 : vector<16xf32>
      %add3A_535 = arith.constant 2112 : i32
      %add3A_536 = arith.addi %add3A_535, %mul3A_373 : i32
      %swap3A_537 = arith.index_cast %add3A_536 : i32 to index
      %swap3A_538 = tpu.vector_load %arg13[%swap3A_537] {strides = array<i32>} : memref<3520xf32, #tpu.memory_space<vmem>>, vector<16xf32>,
      tpu.vector_store %arg13[%swap3A_537], %add3A_534 {strides = array<i32>} : memref<3520xf32, #tpu.memory_space<vmem>>, vector<16xf32>,
      %div3A_539 = arith.divf %add3A_447, %add3A_439 : vector<16xf32>
      %bitcast_convert_type3A_540 = tpu.bitcast %div3A_539 : vector<16xf32> -> vector<16xi32>
      %broadcast_in_dim3A_541 = arith.constant 23 : i32
      %broadcast_in_dim3A_542 = vector.broadcast %broadcast_in_dim3A_541 : i32 to vector<16xi32>
      %shift_right_logical3A_543 = arith.shrui %bitcast_convert_type3A_540, %broadcast_in_dim3A_542 : vector<16xi32>
      %broadcast_in_dim3A_544 = arith.constant 127 : i32
      %broadcast_in_dim3A_545 = vector.broadcast %broadcast_in_dim3A_544 : i32 to vector<16xi32>
      %sub3A_546 = arith.subi %shift_right_logical3A_543, %broadcast_in_dim3A_545 : vector<16xi32>
      %broadcast_in_dim3A_547 = arith.constant 8388607 : i32
      %broadcast_in_dim3A_548 = vector.broadcast %broadcast_in_dim3A_547 : i32 to vector<16xi32>
      %and3A_549 = arith.andi %bitcast_convert_type3A_540, %broadcast_in_dim3A_548 : vector<16xi32>
      %broadcast_in_dim3A_550 = arith.constant 1065353216 : i32
      %broadcast_in_dim3A_551 = vector.broadcast %broadcast_in_dim3A_550 : i32 to vector<16xi32>
      %or3A_552 = arith.ori %and3A_549, %broadcast_in_dim3A_551 : vector<16xi32>
      %bitcast_convert_type3A_553 = tpu.bitcast %or3A_552 : vector<16xi32> -> vector<16xf32>
      %broadcast_in_dim3A_554 = arith.constant 1.41421354 : f32
      %broadcast_in_dim3A_555 = vector.broadcast %broadcast_in_dim3A_554 : f32 to vector<16xf32>
      %gt3A_556 = arith.cmpf ogt, %bitcast_convert_type3A_553, %broadcast_in_dim3A_555 : vector<16xf32>
      %mul3A_557 = arith.constant 5.000000e-01 : f32
      %mul3A_558 = vector.broadcast %mul3A_557 : f32 to vector<16xf32>
      %mul3A_559 = arith.mulf %bitcast_convert_type3A_553, %mul3A_558 : vector<16xf32>
      %select_n3A_560 = arith.select %gt3A_556, %mul3A_559, %bitcast_convert_type3A_553 : vector<16xi1>, vector<16xf32>
      %convert_element_type3A_561 = arith.sitofp %sub3A_546 : vector<16xi32> to vector<16xf32>
      %broadcast_in_dim3A_562 = arith.constant 1.000000e+00 : f32
      %broadcast_in_dim3A_563 = vector.broadcast %broadcast_in_dim3A_562 : f32 to vector<16xf32>
      %broadcast_in_dim3A_564 = arith.constant 0.000000e+00 : f32
      %broadcast_in_dim3A_565 = vector.broadcast %broadcast_in_dim3A_564 : f32 to vector<16xf32>
      %select_n3A_566 = arith.select %gt3A_556, %broadcast_in_dim3A_563, %broadcast_in_dim3A_565 : vector<16xi1>, vector<16xf32>
      %add3A_567 = arith.addf %convert_element_type3A_561, %select_n3A_566 : vector<16xf32>
      %sub3A_568 = arith.constant 1.000000e+00 : f32
      %sub3A_569 = vector.broadcast %sub3A_568 : f32 to vector<16xf32>
      %sub3A_570 = arith.subf %select_n3A_560, %sub3A_569 : vector<16xf32>
      %add3A_571 = arith.constant 1.000000e+00 : f32
      %add3A_572 = vector.broadcast %add3A_571 : f32 to vector<16xf32>
      %add3A_573 = arith.addf %select_n3A_560, %add3A_572 : vector<16xf32>
      %div3A_574 = arith.divf %sub3A_570, %add3A_573 : vector<16xf32>
      %mul3A_575 = arith.mulf %div3A_574, %div3A_574 : vector<16xf32>
      %mul3A_576 = arith.constant 0.111111112 : f32
      %mul3A_577 = vector.broadcast %mul3A_576 : f32 to vector<16xf32>
      %mul3A_578 = arith.mulf %mul3A_575, %mul3A_577 : vector<16xf32>
      %add3A_579 = arith.constant 0.142857149 : f32
      %add3A_580 = vector.broadcast %add3A_579 : f32 to vector<16xf32>
      %add3A_581 = arith.addf %add3A_580, %mul3A_578 : vector<16xf32>
      %mul3A_582 = arith.mulf %mul3A_575, %add3A_581 : vector<16xf32>
      %add3A_583 = arith.constant 2.000000e-01 : f32
      %add3A_584 = vector.broadcast %add3A_583 : f32 to vector<16xf32>
      %add3A_585 = arith.addf %add3A_584, %mul3A_582 : vector<16xf32>
      %mul3A_586 = arith.mulf %mul3A_575, %add3A_585 : vector<16xf32>
      %add3A_587 = arith.constant 0.333333343 : f32
      %add3A_588 = vector.broadcast %add3A_587 : f32 to vector<16xf32>
      %add3A_589 = arith.addf %add3A_588, %mul3A_586 : vector<16xf32>
      %mul3A_590 = arith.mulf %mul3A_575, %add3A_589 : vector<16xf32>
      %add3A_591 = arith.addf %div3A_574, %div3A_574 : vector<16xf32>
      %mul3A_592 = arith.constant 0.693147182 : f32
      %mul3A_593 = vector.broadcast %mul3A_592 : f32 to vector<16xf32>
      %mul3A_594 = arith.mulf %add3A_567, %mul3A_593 : vector<16xf32>
      %mul3A_595 = arith.mulf %add3A_591, %mul3A_590 : vector<16xf32>
      %add3A_596 = arith.addf %add3A_591, %mul3A_595 : vector<16xf32>
      %add3A_597 = arith.addf %mul3A_594, %add3A_596 : vector<16xf32>
      %add3A_598 = arith.constant 2816 : i32
      %add3A_599 = arith.addi %add3A_598, %mul3A_373 : i32
      %swap3A_600 = arith.index_cast %add3A_599 : i32 to index
      %swap3A_601 = tpu.vector_load %arg13[%swap3A_600] {strides = array<i32>} : memref<3520xf32, #tpu.memory_space<vmem>>, vector<16xf32>,
      tpu.vector_store %arg13[%swap3A_600], %add3A_597 {strides = array<i32>} : memref<3520xf32, #tpu.memory_space<vmem>>, vector<16xf32>,
      %mul3A_602 = arith.constant 4 : i32
      %mul3A_603 = arith.muli %scan3A_21, %mul3A_602 : i32
      %add3A_604 = arith.constant 2 : i32
      %add3A_605 = arith.addi %mul3A_603, %add3A_604 : i32
      %mul3A_606 = arith.constant 16 : i32
      %mul3A_607 = arith.muli %add3A_605, %mul3A_606 : i32
      %mul3A_608 = arith.constant 16 : i32
      %mul3A_609 = vector.broadcast %mul3A_608 : i32 to vector<16xi32>
      %mul3A_610 = arith.muli %parallel_loop3A_145#6, %mul3A_609 : vector<16xi32>
      %add3A_611 = arith.addi %mul3A_610, %iota3A : vector<16xi32>
      %add3A_612 = arith.constant 0 : i32
      %add3A_613 = vector.broadcast %add3A_612 : i32 to vector<16xi32>
      %add3A_614 = arith.addi %add3A_611, %add3A_613 : vector<16xi32>
      %gather3A_615 = tpu.vector_load_idx %arg10[%add3A_614] : memref<5120xf32, #tpu.memory_space<vmem>>[vector<16xi32>], vector<16xf32>,
      %add3A_616 = arith.constant 1024 : i32
      %add3A_617 = vector.broadcast %add3A_616 : i32 to vector<16xi32>
      %add3A_618 = arith.addi %add3A_611, %add3A_617 : vector<16xi32>
      %gather3A_619 = tpu.vector_load_idx %arg10[%add3A_618] : memref<5120xf32, #tpu.memory_space<vmem>>[vector<16xi32>], vector<16xf32>,
      %add3A_620 = arith.constant 2048 : i32
      %add3A_621 = vector.broadcast %add3A_620 : i32 to vector<16xi32>
      %add3A_622 = arith.addi %add3A_611, %add3A_621 : vector<16xi32>
      %gather3A_623 = tpu.vector_load_idx %arg10[%add3A_622] : memref<5120xf32, #tpu.memory_space<vmem>>[vector<16xi32>], vector<16xf32>,
      %add3A_624 = arith.constant 3072 : i32
      %add3A_625 = vector.broadcast %add3A_624 : i32 to vector<16xi32>
      %add3A_626 = arith.addi %add3A_611, %add3A_625 : vector<16xi32>
      %gather3A_627 = tpu.vector_load_idx %arg10[%add3A_626] : memref<5120xf32, #tpu.memory_space<vmem>>[vector<16xi32>], vector<16xf32>,
      %add3A_628 = arith.constant 4096 : i32
      %add3A_629 = vector.broadcast %add3A_628 : i32 to vector<16xi32>
      %add3A_630 = arith.addi %add3A_611, %add3A_629 : vector<16xi32>
      %gather3A_631 = tpu.vector_load_idx %arg10[%add3A_630] : memref<5120xf32, #tpu.memory_space<vmem>>[vector<16xi32>], vector<16xf32>,
      %broadcast_in_dim3A_632 = arith.constant -1.000000e+00 : f32
      %broadcast_in_dim3A_633 = vector.broadcast %broadcast_in_dim3A_632 : f32 to vector<16xf32>
      %lt3A_634 = arith.constant 4.000000e-01 : f32
      %lt3A_635 = vector.broadcast %lt3A_634 : f32 to vector<16xf32>
      %lt3A_636 = arith.cmpf olt, %parallel_loop3A_145#2, %lt3A_635 : vector<16xf32>
      %broadcast_in_dim3A_637 = arith.constant 0.000000e+00 : f32
      %broadcast_in_dim3A_638 = vector.broadcast %broadcast_in_dim3A_637 : f32 to vector<16xf32>
      %select_n3A_639 = arith.select %lt3A_636, %broadcast_in_dim3A_638, %broadcast_in_dim3A_633 : vector<16xi1>, vector<16xf32>
      %ge3A_640 = arith.constant 5.000000e-01 : f32
      %ge3A_641 = vector.broadcast %ge3A_640 : f32 to vector<16xf32>
      %ge3A_642 = arith.cmpf oge, %parallel_loop3A_145#2, %ge3A_641 : vector<16xf32>
      %broadcast_in_dim3A_643 = arith.constant 1.000000e+00 : f32
      %broadcast_in_dim3A_644 = vector.broadcast %broadcast_in_dim3A_643 : f32 to vector<16xf32>
      %select_n3A_645 = arith.select %ge3A_642, %broadcast_in_dim3A_644, %select_n3A_639 : vector<16xi1>, vector<16xf32>
      %ge3A_646 = arith.constant 0.000000e+00 : f32
      %ge3A_647 = vector.broadcast %ge3A_646 : f32 to vector<16xf32>
      %ge3A_648 = arith.cmpf oge, %get3A_86, %ge3A_647 : vector<16xf32>
      %ge3A_649 = arith.constant 0.000000e+00 : f32
      %ge3A_650 = vector.broadcast %ge3A_649 : f32 to vector<16xf32>
      %ge3A_651 = arith.cmpf oge, %get3A_90, %ge3A_650 : vector<16xf32>
      %and3A_652 = arith.andi %ge3A_648, %ge3A_651 : vector<16xi1>
      %lt3A_653 = arith.cmpf olt, %get3A_94, %gather3A_11 : vector<16xf32>
      %and3A_654 = arith.andi %and3A_652, %lt3A_653 : vector<16xi1>
      %lt3A_655 = arith.cmpf olt, %get3A_98, %gather3A : vector<16xf32>
      %and3A_656 = arith.andi %and3A_654, %lt3A_655 : vector<16xi1>
      %broadcast_in_dim3A_657 = arith.constant -1.000000e+00 : f32
      %broadcast_in_dim3A_658 = vector.broadcast %broadcast_in_dim3A_657 : f32 to vector<16xf32>
      %select_n3A_659 = arith.select %and3A_656, %select_n3A_645, %broadcast_in_dim3A_658 : vector<16xi1>, vector<16xf32>
      %eq3A_660 = arith.constant 1.000000e+00 : f32
      %eq3A_661 = vector.broadcast %eq3A_660 : f32 to vector<16xf32>
      %eq3A_662 = arith.cmpf oeq, %select_n3A_659, %eq3A_661 : vector<16xf32>
      %select_n3A_663 = arith.select %eq3A_662, %gather3A_631, %select_n3A_659 : vector<16xi1>, vector<16xf32>
      %swap3A_664 = arith.index_cast %mul3A_607 : i32 to index
      %swap3A_665 = tpu.vector_load %arg13[%swap3A_664] {strides = array<i32>} : memref<3520xf32, #tpu.memory_space<vmem>>, vector<16xf32>,
      tpu.vector_store %arg13[%swap3A_664], %select_n3A_663 {strides = array<i32>} : memref<3520xf32, #tpu.memory_space<vmem>>, vector<16xf32>,
      %sub3A_666 = arith.subf %get3A_94, %get3A_86 : vector<16xf32>
      %add3A_667 = arith.constant 1.000000e+00 : f32
      %add3A_668 = vector.broadcast %add3A_667 : f32 to vector<16xf32>
      %add3A_669 = arith.addf %sub3A_666, %add3A_668 : vector<16xf32>
      %sub3A_670 = arith.subf %get3A_98, %get3A_90 : vector<16xf32>
      %add3A_671 = arith.constant 1.000000e+00 : f32
      %add3A_672 = vector.broadcast %add3A_671 : f32 to vector<16xf32>
      %add3A_673 = arith.addf %sub3A_670, %add3A_672 : vector<16xf32>
      %sub3A_674 = arith.subf %gather3A_623, %gather3A_615 : vector<16xf32>
      %add3A_675 = arith.constant 1.000000e+00 : f32
      %add3A_676 = vector.broadcast %add3A_675 : f32 to vector<16xf32>
      %add3A_677 = arith.addf %sub3A_674, %add3A_676 : vector<16xf32>
      %sub3A_678 = arith.subf %gather3A_627, %gather3A_619 : vector<16xf32>
      %add3A_679 = arith.constant 1.000000e+00 : f32
      %add3A_680 = vector.broadcast %add3A_679 : f32 to vector<16xf32>
      %add3A_681 = arith.addf %sub3A_678, %add3A_680 : vector<16xf32>
      %mul3A_682 = arith.constant 5.000000e-01 : f32
      %mul3A_683 = vector.broadcast %mul3A_682 : f32 to vector<16xf32>
      %mul3A_684 = arith.mulf %mul3A_683, %add3A_669 : vector<16xf32>
      %add3A_685 = arith.addf %get3A_86, %mul3A_684 : vector<16xf32>
      %mul3A_686 = arith.constant 5.000000e-01 : f32
      %mul3A_687 = vector.broadcast %mul3A_686 : f32 to vector<16xf32>
      %mul3A_688 = arith.mulf %mul3A_687, %add3A_673 : vector<16xf32>
      %add3A_689 = arith.addf %get3A_90, %mul3A_688 : vector<16xf32>
      %mul3A_690 = arith.constant 5.000000e-01 : f32
      %mul3A_691 = vector.broadcast %mul3A_690 : f32 to vector<16xf32>
      %mul3A_692 = arith.mulf %mul3A_691, %add3A_677 : vector<16xf32>
      %add3A_693 = arith.addf %gather3A_615, %mul3A_692 : vector<16xf32>
      %mul3A_694 = arith.constant 5.000000e-01 : f32
      %mul3A_695 = vector.broadcast %mul3A_694 : f32 to vector<16xf32>
      %mul3A_696 = arith.mulf %mul3A_695, %add3A_681 : vector<16xf32>
      %add3A_697 = arith.addf %gather3A_619, %mul3A_696 : vector<16xf32>
      %sub3A_698 = arith.subf %add3A_693, %add3A_685 : vector<16xf32>
      %div3A_699 = arith.divf %sub3A_698, %add3A_669 : vector<16xf32>
      %add3A_700 = arith.constant 704 : i32
      %add3A_701 = arith.addi %add3A_700, %mul3A_607 : i32
      %swap3A_702 = arith.index_cast %add3A_701 : i32 to index
      %swap3A_703 = tpu.vector_load %arg13[%swap3A_702] {strides = array<i32>} : memref<3520xf32, #tpu.memory_space<vmem>>, vector<16xf32>,
      tpu.vector_store %arg13[%swap3A_702], %div3A_699 {strides = array<i32>} : memref<3520xf32, #tpu.memory_space<vmem>>, vector<16xf32>,
      %sub3A_704 = arith.subf %add3A_697, %add3A_689 : vector<16xf32>
      %div3A_705 = arith.divf %sub3A_704, %add3A_673 : vector<16xf32>
      %add3A_706 = arith.constant 1408 : i32
      %add3A_707 = arith.addi %add3A_706, %mul3A_607 : i32
      %swap3A_708 = arith.index_cast %add3A_707 : i32 to index
      %swap3A_709 = tpu.vector_load %arg13[%swap3A_708] {strides = array<i32>} : memref<3520xf32, #tpu.memory_space<vmem>>, vector<16xf32>,
      tpu.vector_store %arg13[%swap3A_708], %div3A_705 {strides = array<i32>} : memref<3520xf32, #tpu.memory_space<vmem>>, vector<16xf32>,
      %div3A_710 = arith.divf %add3A_677, %add3A_669 : vector<16xf32>
      %bitcast_convert_type3A_711 = tpu.bitcast %div3A_710 : vector<16xf32> -> vector<16xi32>
      %broadcast_in_dim3A_712 = arith.constant 23 : i32
      %broadcast_in_dim3A_713 = vector.broadcast %broadcast_in_dim3A_712 : i32 to vector<16xi32>
      %shift_right_logical3A_714 = arith.shrui %bitcast_convert_type3A_711, %broadcast_in_dim3A_713 : vector<16xi32>
      %broadcast_in_dim3A_715 = arith.constant 127 : i32
      %broadcast_in_dim3A_716 = vector.broadcast %broadcast_in_dim3A_715 : i32 to vector<16xi32>
      %sub3A_717 = arith.subi %shift_right_logical3A_714, %broadcast_in_dim3A_716 : vector<16xi32>
      %broadcast_in_dim3A_718 = arith.constant 8388607 : i32
      %broadcast_in_dim3A_719 = vector.broadcast %broadcast_in_dim3A_718 : i32 to vector<16xi32>
      %and3A_720 = arith.andi %bitcast_convert_type3A_711, %broadcast_in_dim3A_719 : vector<16xi32>
      %broadcast_in_dim3A_721 = arith.constant 1065353216 : i32
      %broadcast_in_dim3A_722 = vector.broadcast %broadcast_in_dim3A_721 : i32 to vector<16xi32>
      %or3A_723 = arith.ori %and3A_720, %broadcast_in_dim3A_722 : vector<16xi32>
      %bitcast_convert_type3A_724 = tpu.bitcast %or3A_723 : vector<16xi32> -> vector<16xf32>
      %broadcast_in_dim3A_725 = arith.constant 1.41421354 : f32
      %broadcast_in_dim3A_726 = vector.broadcast %broadcast_in_dim3A_725 : f32 to vector<16xf32>
      %gt3A_727 = arith.cmpf ogt, %bitcast_convert_type3A_724, %broadcast_in_dim3A_726 : vector<16xf32>
      %mul3A_728 = arith.constant 5.000000e-01 : f32
      %mul3A_729 = vector.broadcast %mul3A_728 : f32 to vector<16xf32>
      %mul3A_730 = arith.mulf %bitcast_convert_type3A_724, %mul3A_729 : vector<16xf32>
      %select_n3A_731 = arith.select %gt3A_727, %mul3A_730, %bitcast_convert_type3A_724 : vector<16xi1>, vector<16xf32>
      %convert_element_type3A_732 = arith.sitofp %sub3A_717 : vector<16xi32> to vector<16xf32>
      %broadcast_in_dim3A_733 = arith.constant 1.000000e+00 : f32
      %broadcast_in_dim3A_734 = vector.broadcast %broadcast_in_dim3A_733 : f32 to vector<16xf32>
      %broadcast_in_dim3A_735 = arith.constant 0.000000e+00 : f32
      %broadcast_in_dim3A_736 = vector.broadcast %broadcast_in_dim3A_735 : f32 to vector<16xf32>
      %select_n3A_737 = arith.select %gt3A_727, %broadcast_in_dim3A_734, %broadcast_in_dim3A_736 : vector<16xi1>, vector<16xf32>
      %add3A_738 = arith.addf %convert_element_type3A_732, %select_n3A_737 : vector<16xf32>
      %sub3A_739 = arith.constant 1.000000e+00 : f32
      %sub3A_740 = vector.broadcast %sub3A_739 : f32 to vector<16xf32>
      %sub3A_741 = arith.subf %select_n3A_731, %sub3A_740 : vector<16xf32>
      %add3A_742 = arith.constant 1.000000e+00 : f32
      %add3A_743 = vector.broadcast %add3A_742 : f32 to vector<16xf32>
      %add3A_744 = arith.addf %select_n3A_731, %add3A_743 : vector<16xf32>
      %div3A_745 = arith.divf %sub3A_741, %add3A_744 : vector<16xf32>
      %mul3A_746 = arith.mulf %div3A_745, %div3A_745 : vector<16xf32>
      %mul3A_747 = arith.constant 0.111111112 : f32
      %mul3A_748 = vector.broadcast %mul3A_747 : f32 to vector<16xf32>
      %mul3A_749 = arith.mulf %mul3A_746, %mul3A_748 : vector<16xf32>
      %add3A_750 = arith.constant 0.142857149 : f32
      %add3A_751 = vector.broadcast %add3A_750 : f32 to vector<16xf32>
      %add3A_752 = arith.addf %add3A_751, %mul3A_749 : vector<16xf32>
      %mul3A_753 = arith.mulf %mul3A_746, %add3A_752 : vector<16xf32>
      %add3A_754 = arith.constant 2.000000e-01 : f32
      %add3A_755 = vector.broadcast %add3A_754 : f32 to vector<16xf32>
      %add3A_756 = arith.addf %add3A_755, %mul3A_753 : vector<16xf32>
      %mul3A_757 = arith.mulf %mul3A_746, %add3A_756 : vector<16xf32>
      %add3A_758 = arith.constant 0.333333343 : f32
      %add3A_759 = vector.broadcast %add3A_758 : f32 to vector<16xf32>
      %add3A_760 = arith.addf %add3A_759, %mul3A_757 : vector<16xf32>
      %mul3A_761 = arith.mulf %mul3A_746, %add3A_760 : vector<16xf32>
      %add3A_762 = arith.addf %div3A_745, %div3A_745 : vector<16xf32>
      %mul3A_763 = arith.constant 0.693147182 : f32
      %mul3A_764 = vector.broadcast %mul3A_763 : f32 to vector<16xf32>
      %mul3A_765 = arith.mulf %add3A_738, %mul3A_764 : vector<16xf32>
      %mul3A_766 = arith.mulf %add3A_762, %mul3A_761 : vector<16xf32>
      %add3A_767 = arith.addf %add3A_762, %mul3A_766 : vector<16xf32>
      %add3A_768 = arith.addf %mul3A_765, %add3A_767 : vector<16xf32>
      %add3A_769 = arith.constant 2112 : i32
      %add3A_770 = arith.addi %add3A_769, %mul3A_607 : i32
      %swap3A_771 = arith.index_cast %add3A_770 : i32 to index
      %swap3A_772 = tpu.vector_load %arg13[%swap3A_771] {strides = array<i32>} : memref<3520xf32, #tpu.memory_space<vmem>>, vector<16xf32>,
      tpu.vector_store %arg13[%swap3A_771], %add3A_768 {strides = array<i32>} : memref<3520xf32, #tpu.memory_space<vmem>>, vector<16xf32>,
      %div3A_773 = arith.divf %add3A_681, %add3A_673 : vector<16xf32>
      %bitcast_convert_type3A_774 = tpu.bitcast %div3A_773 : vector<16xf32> -> vector<16xi32>
      %broadcast_in_dim3A_775 = arith.constant 23 : i32
      %broadcast_in_dim3A_776 = vector.broadcast %broadcast_in_dim3A_775 : i32 to vector<16xi32>
      %shift_right_logical3A_777 = arith.shrui %bitcast_convert_type3A_774, %broadcast_in_dim3A_776 : vector<16xi32>
      %broadcast_in_dim3A_778 = arith.constant 127 : i32
      %broadcast_in_dim3A_779 = vector.broadcast %broadcast_in_dim3A_778 : i32 to vector<16xi32>
      %sub3A_780 = arith.subi %shift_right_logical3A_777, %broadcast_in_dim3A_779 : vector<16xi32>
      %broadcast_in_dim3A_781 = arith.constant 8388607 : i32
      %broadcast_in_dim3A_782 = vector.broadcast %broadcast_in_dim3A_781 : i32 to vector<16xi32>
      %and3A_783 = arith.andi %bitcast_convert_type3A_774, %broadcast_in_dim3A_782 : vector<16xi32>
      %broadcast_in_dim3A_784 = arith.constant 1065353216 : i32
      %broadcast_in_dim3A_785 = vector.broadcast %broadcast_in_dim3A_784 : i32 to vector<16xi32>
      %or3A_786 = arith.ori %and3A_783, %broadcast_in_dim3A_785 : vector<16xi32>
      %bitcast_convert_type3A_787 = tpu.bitcast %or3A_786 : vector<16xi32> -> vector<16xf32>
      %broadcast_in_dim3A_788 = arith.constant 1.41421354 : f32
      %broadcast_in_dim3A_789 = vector.broadcast %broadcast_in_dim3A_788 : f32 to vector<16xf32>
      %gt3A_790 = arith.cmpf ogt, %bitcast_convert_type3A_787, %broadcast_in_dim3A_789 : vector<16xf32>
      %mul3A_791 = arith.constant 5.000000e-01 : f32
      %mul3A_792 = vector.broadcast %mul3A_791 : f32 to vector<16xf32>
      %mul3A_793 = arith.mulf %bitcast_convert_type3A_787, %mul3A_792 : vector<16xf32>
      %select_n3A_794 = arith.select %gt3A_790, %mul3A_793, %bitcast_convert_type3A_787 : vector<16xi1>, vector<16xf32>
      %convert_element_type3A_795 = arith.sitofp %sub3A_780 : vector<16xi32> to vector<16xf32>
      %broadcast_in_dim3A_796 = arith.constant 1.000000e+00 : f32
      %broadcast_in_dim3A_797 = vector.broadcast %broadcast_in_dim3A_796 : f32 to vector<16xf32>
      %broadcast_in_dim3A_798 = arith.constant 0.000000e+00 : f32
      %broadcast_in_dim3A_799 = vector.broadcast %broadcast_in_dim3A_798 : f32 to vector<16xf32>
      %select_n3A_800 = arith.select %gt3A_790, %broadcast_in_dim3A_797, %broadcast_in_dim3A_799 : vector<16xi1>, vector<16xf32>
      %add3A_801 = arith.addf %convert_element_type3A_795, %select_n3A_800 : vector<16xf32>
      %sub3A_802 = arith.constant 1.000000e+00 : f32
      %sub3A_803 = vector.broadcast %sub3A_802 : f32 to vector<16xf32>
      %sub3A_804 = arith.subf %select_n3A_794, %sub3A_803 : vector<16xf32>
      %add3A_805 = arith.constant 1.000000e+00 : f32
      %add3A_806 = vector.broadcast %add3A_805 : f32 to vector<16xf32>
      %add3A_807 = arith.addf %select_n3A_794, %add3A_806 : vector<16xf32>
      %div3A_808 = arith.divf %sub3A_804, %add3A_807 : vector<16xf32>
      %mul3A_809 = arith.mulf %div3A_808, %div3A_808 : vector<16xf32>
      %mul3A_810 = arith.constant 0.111111112 : f32
      %mul3A_811 = vector.broadcast %mul3A_810 : f32 to vector<16xf32>
      %mul3A_812 = arith.mulf %mul3A_809, %mul3A_811 : vector<16xf32>
      %add3A_813 = arith.constant 0.142857149 : f32
      %add3A_814 = vector.broadcast %add3A_813 : f32 to vector<16xf32>
      %add3A_815 = arith.addf %add3A_814, %mul3A_812 : vector<16xf32>
      %mul3A_816 = arith.mulf %mul3A_809, %add3A_815 : vector<16xf32>
      %add3A_817 = arith.constant 2.000000e-01 : f32
      %add3A_818 = vector.broadcast %add3A_817 : f32 to vector<16xf32>
      %add3A_819 = arith.addf %add3A_818, %mul3A_816 : vector<16xf32>
      %mul3A_820 = arith.mulf %mul3A_809, %add3A_819 : vector<16xf32>
      %add3A_821 = arith.constant 0.333333343 : f32
      %add3A_822 = vector.broadcast %add3A_821 : f32 to vector<16xf32>
      %add3A_823 = arith.addf %add3A_822, %mul3A_820 : vector<16xf32>
      %mul3A_824 = arith.mulf %mul3A_809, %add3A_823 : vector<16xf32>
      %add3A_825 = arith.addf %div3A_808, %div3A_808 : vector<16xf32>
      %mul3A_826 = arith.constant 0.693147182 : f32
      %mul3A_827 = vector.broadcast %mul3A_826 : f32 to vector<16xf32>
      %mul3A_828 = arith.mulf %add3A_801, %mul3A_827 : vector<16xf32>
      %mul3A_829 = arith.mulf %add3A_825, %mul3A_824 : vector<16xf32>
      %add3A_830 = arith.addf %add3A_825, %mul3A_829 : vector<16xf32>
      %add3A_831 = arith.addf %mul3A_828, %add3A_830 : vector<16xf32>
      %add3A_832 = arith.constant 2816 : i32
      %add3A_833 = arith.addi %add3A_832, %mul3A_607 : i32
      %swap3A_834 = arith.index_cast %add3A_833 : i32 to index
      %swap3A_835 = tpu.vector_load %arg13[%swap3A_834] {strides = array<i32>} : memref<3520xf32, #tpu.memory_space<vmem>>, vector<16xf32>,
      tpu.vector_store %arg13[%swap3A_834], %add3A_831 {strides = array<i32>} : memref<3520xf32, #tpu.memory_space<vmem>>, vector<16xf32>,
      %mul3A_836 = arith.constant 4 : i32
      %mul3A_837 = arith.muli %scan3A_21, %mul3A_836 : i32
      %add3A_838 = arith.constant 3 : i32
      %add3A_839 = arith.addi %mul3A_837, %add3A_838 : i32
      %mul3A_840 = arith.constant 16 : i32
      %mul3A_841 = arith.muli %add3A_839, %mul3A_840 : i32
      %mul3A_842 = arith.constant 16 : i32
      %mul3A_843 = vector.broadcast %mul3A_842 : i32 to vector<16xi32>
      %mul3A_844 = arith.muli %parallel_loop3A_145#7, %mul3A_843 : vector<16xi32>
      %add3A_845 = arith.addi %mul3A_844, %iota3A : vector<16xi32>
      %add3A_846 = arith.constant 0 : i32
      %add3A_847 = vector.broadcast %add3A_846 : i32 to vector<16xi32>
      %add3A_848 = arith.addi %add3A_845, %add3A_847 : vector<16xi32>
      %gather3A_849 = tpu.vector_load_idx %arg10[%add3A_848] : memref<5120xf32, #tpu.memory_space<vmem>>[vector<16xi32>], vector<16xf32>,
      %add3A_850 = arith.constant 1024 : i32
      %add3A_851 = vector.broadcast %add3A_850 : i32 to vector<16xi32>
      %add3A_852 = arith.addi %add3A_845, %add3A_851 : vector<16xi32>
      %gather3A_853 = tpu.vector_load_idx %arg10[%add3A_852] : memref<5120xf32, #tpu.memory_space<vmem>>[vector<16xi32>], vector<16xf32>,
      %add3A_854 = arith.constant 2048 : i32
      %add3A_855 = vector.broadcast %add3A_854 : i32 to vector<16xi32>
      %add3A_856 = arith.addi %add3A_845, %add3A_855 : vector<16xi32>
      %gather3A_857 = tpu.vector_load_idx %arg10[%add3A_856] : memref<5120xf32, #tpu.memory_space<vmem>>[vector<16xi32>], vector<16xf32>,
      %add3A_858 = arith.constant 3072 : i32
      %add3A_859 = vector.broadcast %add3A_858 : i32 to vector<16xi32>
      %add3A_860 = arith.addi %add3A_845, %add3A_859 : vector<16xi32>
      %gather3A_861 = tpu.vector_load_idx %arg10[%add3A_860] : memref<5120xf32, #tpu.memory_space<vmem>>[vector<16xi32>], vector<16xf32>,
      %add3A_862 = arith.constant 4096 : i32
      %add3A_863 = vector.broadcast %add3A_862 : i32 to vector<16xi32>
      %add3A_864 = arith.addi %add3A_845, %add3A_863 : vector<16xi32>
      %gather3A_865 = tpu.vector_load_idx %arg10[%add3A_864] : memref<5120xf32, #tpu.memory_space<vmem>>[vector<16xi32>], vector<16xf32>,
      %broadcast_in_dim3A_866 = arith.constant -1.000000e+00 : f32
      %broadcast_in_dim3A_867 = vector.broadcast %broadcast_in_dim3A_866 : f32 to vector<16xf32>
      %lt3A_868 = arith.constant 4.000000e-01 : f32
      %lt3A_869 = vector.broadcast %lt3A_868 : f32 to vector<16xf32>
      %lt3A_870 = arith.cmpf olt, %parallel_loop3A_145#3, %lt3A_869 : vector<16xf32>
      %broadcast_in_dim3A_871 = arith.constant 0.000000e+00 : f32
      %broadcast_in_dim3A_872 = vector.broadcast %broadcast_in_dim3A_871 : f32 to vector<16xf32>
      %select_n3A_873 = arith.select %lt3A_870, %broadcast_in_dim3A_872, %broadcast_in_dim3A_867 : vector<16xi1>, vector<16xf32>
      %ge3A_874 = arith.constant 5.000000e-01 : f32
      %ge3A_875 = vector.broadcast %ge3A_874 : f32 to vector<16xf32>
      %ge3A_876 = arith.cmpf oge, %parallel_loop3A_145#3, %ge3A_875 : vector<16xf32>
      %broadcast_in_dim3A_877 = arith.constant 1.000000e+00 : f32
      %broadcast_in_dim3A_878 = vector.broadcast %broadcast_in_dim3A_877 : f32 to vector<16xf32>
      %select_n3A_879 = arith.select %ge3A_876, %broadcast_in_dim3A_878, %select_n3A_873 : vector<16xi1>, vector<16xf32>
      %ge3A_880 = arith.constant 0.000000e+00 : f32
      %ge3A_881 = vector.broadcast %ge3A_880 : f32 to vector<16xf32>
      %ge3A_882 = arith.cmpf oge, %get3A_115, %ge3A_881 : vector<16xf32>
      %ge3A_883 = arith.constant 0.000000e+00 : f32
      %ge3A_884 = vector.broadcast %ge3A_883 : f32 to vector<16xf32>
      %ge3A_885 = arith.cmpf oge, %get3A_119, %ge3A_884 : vector<16xf32>
      %and3A_886 = arith.andi %ge3A_882, %ge3A_885 : vector<16xi1>
      %lt3A_887 = arith.cmpf olt, %get3A_123, %gather3A_11 : vector<16xf32>
      %and3A_888 = arith.andi %and3A_886, %lt3A_887 : vector<16xi1>
      %lt3A_889 = arith.cmpf olt, %get3A_127, %gather3A : vector<16xf32>
      %and3A_890 = arith.andi %and3A_888, %lt3A_889 : vector<16xi1>
      %broadcast_in_dim3A_891 = arith.constant -1.000000e+00 : f32
      %broadcast_in_dim3A_892 = vector.broadcast %broadcast_in_dim3A_891 : f32 to vector<16xf32>
      %select_n3A_893 = arith.select %and3A_890, %select_n3A_879, %broadcast_in_dim3A_892 : vector<16xi1>, vector<16xf32>
      %eq3A_894 = arith.constant 1.000000e+00 : f32
      %eq3A_895 = vector.broadcast %eq3A_894 : f32 to vector<16xf32>
      %eq3A_896 = arith.cmpf oeq, %select_n3A_893, %eq3A_895 : vector<16xf32>
      %select_n3A_897 = arith.select %eq3A_896, %gather3A_865, %select_n3A_893 : vector<16xi1>, vector<16xf32>
      %swap3A_898 = arith.index_cast %mul3A_841 : i32 to index
      %swap3A_899 = tpu.vector_load %arg13[%swap3A_898] {strides = array<i32>} : memref<3520xf32, #tpu.memory_space<vmem>>, vector<16xf32>,
      tpu.vector_store %arg13[%swap3A_898], %select_n3A_897 {strides = array<i32>} : memref<3520xf32, #tpu.memory_space<vmem>>, vector<16xf32>,
      %sub3A_900 = arith.subf %get3A_123, %get3A_115 : vector<16xf32>
      %add3A_901 = arith.constant 1.000000e+00 : f32
      %add3A_902 = vector.broadcast %add3A_901 : f32 to vector<16xf32>
      %add3A_903 = arith.addf %sub3A_900, %add3A_902 : vector<16xf32>
      %sub3A_904 = arith.subf %get3A_127, %get3A_119 : vector<16xf32>
      %add3A_905 = arith.constant 1.000000e+00 : f32
      %add3A_906 = vector.broadcast %add3A_905 : f32 to vector<16xf32>
      %add3A_907 = arith.addf %sub3A_904, %add3A_906 : vector<16xf32>
      %sub3A_908 = arith.subf %gather3A_857, %gather3A_849 : vector<16xf32>
      %add3A_909 = arith.constant 1.000000e+00 : f32
      %add3A_910 = vector.broadcast %add3A_909 : f32 to vector<16xf32>
      %add3A_911 = arith.addf %sub3A_908, %add3A_910 : vector<16xf32>
      %sub3A_912 = arith.subf %gather3A_861, %gather3A_853 : vector<16xf32>
      %add3A_913 = arith.constant 1.000000e+00 : f32
      %add3A_914 = vector.broadcast %add3A_913 : f32 to vector<16xf32>
      %add3A_915 = arith.addf %sub3A_912, %add3A_914 : vector<16xf32>
      %mul3A_916 = arith.constant 5.000000e-01 : f32
      %mul3A_917 = vector.broadcast %mul3A_916 : f32 to vector<16xf32>
      %mul3A_918 = arith.mulf %mul3A_917, %add3A_903 : vector<16xf32>
      %add3A_919 = arith.addf %get3A_115, %mul3A_918 : vector<16xf32>
      %mul3A_920 = arith.constant 5.000000e-01 : f32
      %mul3A_921 = vector.broadcast %mul3A_920 : f32 to vector<16xf32>
      %mul3A_922 = arith.mulf %mul3A_921, %add3A_907 : vector<16xf32>
      %add3A_923 = arith.addf %get3A_119, %mul3A_922 : vector<16xf32>
      %mul3A_924 = arith.constant 5.000000e-01 : f32
      %mul3A_925 = vector.broadcast %mul3A_924 : f32 to vector<16xf32>
      %mul3A_926 = arith.mulf %mul3A_925, %add3A_911 : vector<16xf32>
      %add3A_927 = arith.addf %gather3A_849, %mul3A_926 : vector<16xf32>
      %mul3A_928 = arith.constant 5.000000e-01 : f32
      %mul3A_929 = vector.broadcast %mul3A_928 : f32 to vector<16xf32>
      %mul3A_930 = arith.mulf %mul3A_929, %add3A_915 : vector<16xf32>
      %add3A_931 = arith.addf %gather3A_853, %mul3A_930 : vector<16xf32>
      %sub3A_932 = arith.subf %add3A_927, %add3A_919 : vector<16xf32>
      %div3A_933 = arith.divf %sub3A_932, %add3A_903 : vector<16xf32>
      %add3A_934 = arith.constant 704 : i32
      %add3A_935 = arith.addi %add3A_934, %mul3A_841 : i32
      %swap3A_936 = arith.index_cast %add3A_935 : i32 to index
      %swap3A_937 = tpu.vector_load %arg13[%swap3A_936] {strides = array<i32>} : memref<3520xf32, #tpu.memory_space<vmem>>, vector<16xf32>,
      tpu.vector_store %arg13[%swap3A_936], %div3A_933 {strides = array<i32>} : memref<3520xf32, #tpu.memory_space<vmem>>, vector<16xf32>,
      %sub3A_938 = arith.subf %add3A_931, %add3A_923 : vector<16xf32>
      %div3A_939 = arith.divf %sub3A_938, %add3A_907 : vector<16xf32>
      %add3A_940 = arith.constant 1408 : i32
      %add3A_941 = arith.addi %add3A_940, %mul3A_841 : i32
      %swap3A_942 = arith.index_cast %add3A_941 : i32 to index
      %swap3A_943 = tpu.vector_load %arg13[%swap3A_942] {strides = array<i32>} : memref<3520xf32, #tpu.memory_space<vmem>>, vector<16xf32>,
      tpu.vector_store %arg13[%swap3A_942], %div3A_939 {strides = array<i32>} : memref<3520xf32, #tpu.memory_space<vmem>>, vector<16xf32>,
      %div3A_944 = arith.divf %add3A_911, %add3A_903 : vector<16xf32>
      %bitcast_convert_type3A_945 = tpu.bitcast %div3A_944 : vector<16xf32> -> vector<16xi32>
      %broadcast_in_dim3A_946 = arith.constant 23 : i32
      %broadcast_in_dim3A_947 = vector.broadcast %broadcast_in_dim3A_946 : i32 to vector<16xi32>
      %shift_right_logical3A_948 = arith.shrui %bitcast_convert_type3A_945, %broadcast_in_dim3A_947 : vector<16xi32>
      %broadcast_in_dim3A_949 = arith.constant 127 : i32
      %broadcast_in_dim3A_950 = vector.broadcast %broadcast_in_dim3A_949 : i32 to vector<16xi32>
      %sub3A_951 = arith.subi %shift_right_logical3A_948, %broadcast_in_dim3A_950 : vector<16xi32>
      %broadcast_in_dim3A_952 = arith.constant 8388607 : i32
      %broadcast_in_dim3A_953 = vector.broadcast %broadcast_in_dim3A_952 : i32 to vector<16xi32>
      %and3A_954 = arith.andi %bitcast_convert_type3A_945, %broadcast_in_dim3A_953 : vector<16xi32>
      %broadcast_in_dim3A_955 = arith.constant 1065353216 : i32
      %broadcast_in_dim3A_956 = vector.broadcast %broadcast_in_dim3A_955 : i32 to vector<16xi32>
      %or3A_957 = arith.ori %and3A_954, %broadcast_in_dim3A_956 : vector<16xi32>
      %bitcast_convert_type3A_958 = tpu.bitcast %or3A_957 : vector<16xi32> -> vector<16xf32>
      %broadcast_in_dim3A_959 = arith.constant 1.41421354 : f32
      %broadcast_in_dim3A_960 = vector.broadcast %broadcast_in_dim3A_959 : f32 to vector<16xf32>
      %gt3A_961 = arith.cmpf ogt, %bitcast_convert_type3A_958, %broadcast_in_dim3A_960 : vector<16xf32>
      %mul3A_962 = arith.constant 5.000000e-01 : f32
      %mul3A_963 = vector.broadcast %mul3A_962 : f32 to vector<16xf32>
      %mul3A_964 = arith.mulf %bitcast_convert_type3A_958, %mul3A_963 : vector<16xf32>
      %select_n3A_965 = arith.select %gt3A_961, %mul3A_964, %bitcast_convert_type3A_958 : vector<16xi1>, vector<16xf32>
      %convert_element_type3A_966 = arith.sitofp %sub3A_951 : vector<16xi32> to vector<16xf32>
      %broadcast_in_dim3A_967 = arith.constant 1.000000e+00 : f32
      %broadcast_in_dim3A_968 = vector.broadcast %broadcast_in_dim3A_967 : f32 to vector<16xf32>
      %broadcast_in_dim3A_969 = arith.constant 0.000000e+00 : f32
      %broadcast_in_dim3A_970 = vector.broadcast %broadcast_in_dim3A_969 : f32 to vector<16xf32>
      %select_n3A_971 = arith.select %gt3A_961, %broadcast_in_dim3A_968, %broadcast_in_dim3A_970 : vector<16xi1>, vector<16xf32>
      %add3A_972 = arith.addf %convert_element_type3A_966, %select_n3A_971 : vector<16xf32>
      %sub3A_973 = arith.constant 1.000000e+00 : f32
      %sub3A_974 = vector.broadcast %sub3A_973 : f32 to vector<16xf32>
      %sub3A_975 = arith.subf %select_n3A_965, %sub3A_974 : vector<16xf32>
      %add3A_976 = arith.constant 1.000000e+00 : f32
      %add3A_977 = vector.broadcast %add3A_976 : f32 to vector<16xf32>
      %add3A_978 = arith.addf %select_n3A_965, %add3A_977 : vector<16xf32>
      %div3A_979 = arith.divf %sub3A_975, %add3A_978 : vector<16xf32>
      %mul3A_980 = arith.mulf %div3A_979, %div3A_979 : vector<16xf32>
      %mul3A_981 = arith.constant 0.111111112 : f32
      %mul3A_982 = vector.broadcast %mul3A_981 : f32 to vector<16xf32>
      %mul3A_983 = arith.mulf %mul3A_980, %mul3A_982 : vector<16xf32>
      %add3A_984 = arith.constant 0.142857149 : f32
      %add3A_985 = vector.broadcast %add3A_984 : f32 to vector<16xf32>
      %add3A_986 = arith.addf %add3A_985, %mul3A_983 : vector<16xf32>
      %mul3A_987 = arith.mulf %mul3A_980, %add3A_986 : vector<16xf32>
      %add3A_988 = arith.constant 2.000000e-01 : f32
      %add3A_989 = vector.broadcast %add3A_988 : f32 to vector<16xf32>
      %add3A_990 = arith.addf %add3A_989, %mul3A_987 : vector<16xf32>
      %mul3A_991 = arith.mulf %mul3A_980, %add3A_990 : vector<16xf32>
      %add3A_992 = arith.constant 0.333333343 : f32
      %add3A_993 = vector.broadcast %add3A_992 : f32 to vector<16xf32>
      %add3A_994 = arith.addf %add3A_993, %mul3A_991 : vector<16xf32>
      %mul3A_995 = arith.mulf %mul3A_980, %add3A_994 : vector<16xf32>
      %add3A_996 = arith.addf %div3A_979, %div3A_979 : vector<16xf32>
      %mul3A_997 = arith.constant 0.693147182 : f32
      %mul3A_998 = vector.broadcast %mul3A_997 : f32 to vector<16xf32>
      %mul3A_999 = arith.mulf %add3A_972, %mul3A_998 : vector<16xf32>
      %mul3A_1000 = arith.mulf %add3A_996, %mul3A_995 : vector<16xf32>
      %add3A_1001 = arith.addf %add3A_996, %mul3A_1000 : vector<16xf32>
      %add3A_1002 = arith.addf %mul3A_999, %add3A_1001 : vector<16xf32>
      %add3A_1003 = arith.constant 2112 : i32
      %add3A_1004 = arith.addi %add3A_1003, %mul3A_841 : i32
      %swap3A_1005 = arith.index_cast %add3A_1004 : i32 to index
      %swap3A_1006 = tpu.vector_load %arg13[%swap3A_1005] {strides = array<i32>} : memref<3520xf32, #tpu.memory_space<vmem>>, vector<16xf32>,
      tpu.vector_store %arg13[%swap3A_1005], %add3A_1002 {strides = array<i32>} : memref<3520xf32, #tpu.memory_space<vmem>>, vector<16xf32>,
      %div3A_1007 = arith.divf %add3A_915, %add3A_907 : vector<16xf32>
      %bitcast_convert_type3A_1008 = tpu.bitcast %div3A_1007 : vector<16xf32> -> vector<16xi32>
      %broadcast_in_dim3A_1009 = arith.constant 23 : i32
      %broadcast_in_dim3A_1010 = vector.broadcast %broadcast_in_dim3A_1009 : i32 to vector<16xi32>
      %shift_right_logical3A_1011 = arith.shrui %bitcast_convert_type3A_1008, %broadcast_in_dim3A_1010 : vector<16xi32>
      %broadcast_in_dim3A_1012 = arith.constant 127 : i32
      %broadcast_in_dim3A_1013 = vector.broadcast %broadcast_in_dim3A_1012 : i32 to vector<16xi32>
      %sub3A_1014 = arith.subi %shift_right_logical3A_1011, %broadcast_in_dim3A_1013 : vector<16xi32>
      %broadcast_in_dim3A_1015 = arith.constant 8388607 : i32
      %broadcast_in_dim3A_1016 = vector.broadcast %broadcast_in_dim3A_1015 : i32 to vector<16xi32>
      %and3A_1017 = arith.andi %bitcast_convert_type3A_1008, %broadcast_in_dim3A_1016 : vector<16xi32>
      %broadcast_in_dim3A_1018 = arith.constant 1065353216 : i32
      %broadcast_in_dim3A_1019 = vector.broadcast %broadcast_in_dim3A_1018 : i32 to vector<16xi32>
      %or3A_1020 = arith.ori %and3A_1017, %broadcast_in_dim3A_1019 : vector<16xi32>
      %bitcast_convert_type3A_1021 = tpu.bitcast %or3A_1020 : vector<16xi32> -> vector<16xf32>
      %broadcast_in_dim3A_1022 = arith.constant 1.41421354 : f32
      %broadcast_in_dim3A_1023 = vector.broadcast %broadcast_in_dim3A_1022 : f32 to vector<16xf32>
      %gt3A_1024 = arith.cmpf ogt, %bitcast_convert_type3A_1021, %broadcast_in_dim3A_1023 : vector<16xf32>
      %mul3A_1025 = arith.constant 5.000000e-01 : f32
      %mul3A_1026 = vector.broadcast %mul3A_1025 : f32 to vector<16xf32>
      %mul3A_1027 = arith.mulf %bitcast_convert_type3A_1021, %mul3A_1026 : vector<16xf32>
      %select_n3A_1028 = arith.select %gt3A_1024, %mul3A_1027, %bitcast_convert_type3A_1021 : vector<16xi1>, vector<16xf32>
      %convert_element_type3A_1029 = arith.sitofp %sub3A_1014 : vector<16xi32> to vector<16xf32>
      %broadcast_in_dim3A_1030 = arith.constant 1.000000e+00 : f32
      %broadcast_in_dim3A_1031 = vector.broadcast %broadcast_in_dim3A_1030 : f32 to vector<16xf32>
      %broadcast_in_dim3A_1032 = arith.constant 0.000000e+00 : f32
      %broadcast_in_dim3A_1033 = vector.broadcast %broadcast_in_dim3A_1032 : f32 to vector<16xf32>
      %select_n3A_1034 = arith.select %gt3A_1024, %broadcast_in_dim3A_1031, %broadcast_in_dim3A_1033 : vector<16xi1>, vector<16xf32>
      %add3A_1035 = arith.addf %convert_element_type3A_1029, %select_n3A_1034 : vector<16xf32>
      %sub3A_1036 = arith.constant 1.000000e+00 : f32
      %sub3A_1037 = vector.broadcast %sub3A_1036 : f32 to vector<16xf32>
      %sub3A_1038 = arith.subf %select_n3A_1028, %sub3A_1037 : vector<16xf32>
      %add3A_1039 = arith.constant 1.000000e+00 : f32
      %add3A_1040 = vector.broadcast %add3A_1039 : f32 to vector<16xf32>
      %add3A_1041 = arith.addf %select_n3A_1028, %add3A_1040 : vector<16xf32>
      %div3A_1042 = arith.divf %sub3A_1038, %add3A_1041 : vector<16xf32>
      %mul3A_1043 = arith.mulf %div3A_1042, %div3A_1042 : vector<16xf32>
      %mul3A_1044 = arith.constant 0.111111112 : f32
      %mul3A_1045 = vector.broadcast %mul3A_1044 : f32 to vector<16xf32>
      %mul3A_1046 = arith.mulf %mul3A_1043, %mul3A_1045 : vector<16xf32>
      %add3A_1047 = arith.constant 0.142857149 : f32
      %add3A_1048 = vector.broadcast %add3A_1047 : f32 to vector<16xf32>
      %add3A_1049 = arith.addf %add3A_1048, %mul3A_1046 : vector<16xf32>
      %mul3A_1050 = arith.mulf %mul3A_1043, %add3A_1049 : vector<16xf32>
      %add3A_1051 = arith.constant 2.000000e-01 : f32
      %add3A_1052 = vector.broadcast %add3A_1051 : f32 to vector<16xf32>
      %add3A_1053 = arith.addf %add3A_1052, %mul3A_1050 : vector<16xf32>
      %mul3A_1054 = arith.mulf %mul3A_1043, %add3A_1053 : vector<16xf32>
      %add3A_1055 = arith.constant 0.333333343 : f32
      %add3A_1056 = vector.broadcast %add3A_1055 : f32 to vector<16xf32>
      %add3A_1057 = arith.addf %add3A_1056, %mul3A_1054 : vector<16xf32>
      %mul3A_1058 = arith.mulf %mul3A_1043, %add3A_1057 : vector<16xf32>
      %add3A_1059 = arith.addf %div3A_1042, %div3A_1042 : vector<16xf32>
      %mul3A_1060 = arith.constant 0.693147182 : f32
      %mul3A_1061 = vector.broadcast %mul3A_1060 : f32 to vector<16xf32>
      %mul3A_1062 = arith.mulf %add3A_1035, %mul3A_1061 : vector<16xf32>
      %mul3A_1063 = arith.mulf %add3A_1059, %mul3A_1058 : vector<16xf32>
      %add3A_1064 = arith.addf %add3A_1059, %mul3A_1063 : vector<16xf32>
      %add3A_1065 = arith.addf %mul3A_1062, %add3A_1064 : vector<16xf32>
      %add3A_1066 = arith.constant 2816 : i32
      %add3A_1067 = arith.addi %add3A_1066, %mul3A_841 : i32
      %swap3A_1068 = arith.index_cast %add3A_1067 : i32 to index
      %swap3A_1069 = tpu.vector_load %arg13[%swap3A_1068] {strides = array<i32>} : memref<3520xf32, #tpu.memory_space<vmem>>, vector<16xf32>,
      tpu.vector_store %arg13[%swap3A_1068], %add3A_1065 {strides = array<i32>} : memref<3520xf32, #tpu.memory_space<vmem>>, vector<16xf32>,
      %scan3A_1070 = arith.constant 0 : i32
      scf.yield %scan3A_1070 : i32
    }
    %scan3A_18 = arith.constant 11 : i32
    %mul3A_19 = arith.constant 704 : i32
    %mul3A_20 = arith.muli %add3A, %mul3A_19 : i32
    "tpu.region"() ({
      %run_scoped3A = tpu.sem_alloc : memref<!tpu.dma_semaphore, #tpu.memory_space<semaphore_mem>>
      %dma_start3A = arith.constant 0 : i32
      %dma_start3A_21 = tpu.memref_slice %arg13[%dma_start3A] : memref<3520xf32, #tpu.memory_space<vmem>> -> memref<704xf32, #tpu.memory_space<vmem>>
      %dma_start3A_22 = tpu.memref_slice %arg4[%mul3A_20] : memref<22528xf32, #tpu.memory_space<hbm>> -> memref<704xf32, #tpu.memory_space<hbm>>
      %dma_start3A_23 = tpu.memref_slice %arg4[%mul3A_20] : memref<22528xf32, #tpu.memory_space<hbm>> -> memref<704xf32, #tpu.memory_space<hbm>>
      %dma_start3A_24 = arith.constant 0 : i32
      %dma_start3A_25 = tpu.memref_slice %arg13[%dma_start3A_24] : memref<3520xf32, #tpu.memory_space<vmem>> -> memref<704xf32, #tpu.memory_space<vmem>>
      tpu.enqueue_dma source(%dma_start3A_25 : memref<704xf32, #tpu.memory_space<vmem>>) target(%dma_start3A_23 : memref<704xf32, #tpu.memory_space<hbm>>) target_semaphore(%run_scoped3A : memref<!tpu.dma_semaphore, #tpu.memory_space<semaphore_mem>>)
      %dma_wait3A = arith.constant 0 : i32
      %dma_wait3A_26 = tpu.memref_slice %arg13[%dma_wait3A] : memref<3520xf32, #tpu.memory_space<vmem>> -> memref<704xf32, #tpu.memory_space<vmem>>
      %dma_wait3A_27 = tpu.memref_slice %arg4[%mul3A_20] : memref<22528xf32, #tpu.memory_space<hbm>> -> memref<704xf32, #tpu.memory_space<hbm>>
      %dma_wait3A_28 = tpu.memref_slice %arg4[%mul3A_20] : memref<22528xf32, #tpu.memory_space<hbm>> -> memref<704xf32, #tpu.memory_space<hbm>>
      %dma_wait3A_29 = arith.constant 0 : i32
      %dma_wait3A_30 = tpu.memref_slice %arg13[%dma_wait3A_29] : memref<3520xf32, #tpu.memory_space<vmem>> -> memref<704xf32, #tpu.memory_space<vmem>>
      tpu.wait_dma2 semaphore(%run_scoped3A : memref<!tpu.dma_semaphore, #tpu.memory_space<semaphore_mem>>) src(%dma_wait3A_30 : memref<704xf32, #tpu.memory_space<vmem>>) dst(%dma_wait3A_28 : memref<704xf32, #tpu.memory_space<hbm>>)
      tpu.yield
    }) : () -> ()
    "tpu.region"() ({
      %run_scoped3A = tpu.sem_alloc : memref<!tpu.dma_semaphore, #tpu.memory_space<semaphore_mem>>
      %dma_start3A = arith.constant 704 : i32
      %dma_start3A_21 = tpu.memref_slice %arg13[%dma_start3A] : memref<3520xf32, #tpu.memory_space<vmem>> -> memref<704xf32, #tpu.memory_space<vmem>>
      %dma_start3A_22 = tpu.memref_slice %arg5[%mul3A_20] : memref<22528xf32, #tpu.memory_space<hbm>> -> memref<704xf32, #tpu.memory_space<hbm>>
      %dma_start3A_23 = tpu.memref_slice %arg5[%mul3A_20] : memref<22528xf32, #tpu.memory_space<hbm>> -> memref<704xf32, #tpu.memory_space<hbm>>
      %dma_start3A_24 = arith.constant 704 : i32
      %dma_start3A_25 = tpu.memref_slice %arg13[%dma_start3A_24] : memref<3520xf32, #tpu.memory_space<vmem>> -> memref<704xf32, #tpu.memory_space<vmem>>
      tpu.enqueue_dma source(%dma_start3A_25 : memref<704xf32, #tpu.memory_space<vmem>>) target(%dma_start3A_23 : memref<704xf32, #tpu.memory_space<hbm>>) target_semaphore(%run_scoped3A : memref<!tpu.dma_semaphore, #tpu.memory_space<semaphore_mem>>)
      %dma_wait3A = arith.constant 704 : i32
      %dma_wait3A_26 = tpu.memref_slice %arg13[%dma_wait3A] : memref<3520xf32, #tpu.memory_space<vmem>> -> memref<704xf32, #tpu.memory_space<vmem>>
      %dma_wait3A_27 = tpu.memref_slice %arg5[%mul3A_20] : memref<22528xf32, #tpu.memory_space<hbm>> -> memref<704xf32, #tpu.memory_space<hbm>>
      %dma_wait3A_28 = tpu.memref_slice %arg5[%mul3A_20] : memref<22528xf32, #tpu.memory_space<hbm>> -> memref<704xf32, #tpu.memory_space<hbm>>
      %dma_wait3A_29 = arith.constant 704 : i32
      %dma_wait3A_30 = tpu.memref_slice %arg13[%dma_wait3A_29] : memref<3520xf32, #tpu.memory_space<vmem>> -> memref<704xf32, #tpu.memory_space<vmem>>
      tpu.wait_dma2 semaphore(%run_scoped3A : memref<!tpu.dma_semaphore, #tpu.memory_space<semaphore_mem>>) src(%dma_wait3A_30 : memref<704xf32, #tpu.memory_space<vmem>>) dst(%dma_wait3A_28 : memref<704xf32, #tpu.memory_space<hbm>>)
      tpu.yield
    }) : () -> ()
    "tpu.region"() ({
      %run_scoped3A = tpu.sem_alloc : memref<!tpu.dma_semaphore, #tpu.memory_space<semaphore_mem>>
      %dma_start3A = arith.constant 1408 : i32
      %dma_start3A_21 = tpu.memref_slice %arg13[%dma_start3A] : memref<3520xf32, #tpu.memory_space<vmem>> -> memref<704xf32, #tpu.memory_space<vmem>>
      %dma_start3A_22 = tpu.memref_slice %arg6[%mul3A_20] : memref<22528xf32, #tpu.memory_space<hbm>> -> memref<704xf32, #tpu.memory_space<hbm>>
      %dma_start3A_23 = tpu.memref_slice %arg6[%mul3A_20] : memref<22528xf32, #tpu.memory_space<hbm>> -> memref<704xf32, #tpu.memory_space<hbm>>
      %dma_start3A_24 = arith.constant 1408 : i32
      %dma_start3A_25 = tpu.memref_slice %arg13[%dma_start3A_24] : memref<3520xf32, #tpu.memory_space<vmem>> -> memref<704xf32, #tpu.memory_space<vmem>>
      tpu.enqueue_dma source(%dma_start3A_25 : memref<704xf32, #tpu.memory_space<vmem>>) target(%dma_start3A_23 : memref<704xf32, #tpu.memory_space<hbm>>) target_semaphore(%run_scoped3A : memref<!tpu.dma_semaphore, #tpu.memory_space<semaphore_mem>>)
      %dma_wait3A = arith.constant 1408 : i32
      %dma_wait3A_26 = tpu.memref_slice %arg13[%dma_wait3A] : memref<3520xf32, #tpu.memory_space<vmem>> -> memref<704xf32, #tpu.memory_space<vmem>>
      %dma_wait3A_27 = tpu.memref_slice %arg6[%mul3A_20] : memref<22528xf32, #tpu.memory_space<hbm>> -> memref<704xf32, #tpu.memory_space<hbm>>
      %dma_wait3A_28 = tpu.memref_slice %arg6[%mul3A_20] : memref<22528xf32, #tpu.memory_space<hbm>> -> memref<704xf32, #tpu.memory_space<hbm>>
      %dma_wait3A_29 = arith.constant 1408 : i32
      %dma_wait3A_30 = tpu.memref_slice %arg13[%dma_wait3A_29] : memref<3520xf32, #tpu.memory_space<vmem>> -> memref<704xf32, #tpu.memory_space<vmem>>
      tpu.wait_dma2 semaphore(%run_scoped3A : memref<!tpu.dma_semaphore, #tpu.memory_space<semaphore_mem>>) src(%dma_wait3A_30 : memref<704xf32, #tpu.memory_space<vmem>>) dst(%dma_wait3A_28 : memref<704xf32, #tpu.memory_space<hbm>>)
      tpu.yield
    }) : () -> ()
    "tpu.region"() ({
      %run_scoped3A = tpu.sem_alloc : memref<!tpu.dma_semaphore, #tpu.memory_space<semaphore_mem>>
      %dma_start3A = arith.constant 2112 : i32
      %dma_start3A_21 = tpu.memref_slice %arg13[%dma_start3A] : memref<3520xf32, #tpu.memory_space<vmem>> -> memref<704xf32, #tpu.memory_space<vmem>>
      %dma_start3A_22 = tpu.memref_slice %arg7[%mul3A_20] : memref<22528xf32, #tpu.memory_space<hbm>> -> memref<704xf32, #tpu.memory_space<hbm>>
      %dma_start3A_23 = tpu.memref_slice %arg7[%mul3A_20] : memref<22528xf32, #tpu.memory_space<hbm>> -> memref<704xf32, #tpu.memory_space<hbm>>
      %dma_start3A_24 = arith.constant 2112 : i32
      %dma_start3A_25 = tpu.memref_slice %arg13[%dma_start3A_24] : memref<3520xf32, #tpu.memory_space<vmem>> -> memref<704xf32, #tpu.memory_space<vmem>>
      tpu.enqueue_dma source(%dma_start3A_25 : memref<704xf32, #tpu.memory_space<vmem>>) target(%dma_start3A_23 : memref<704xf32, #tpu.memory_space<hbm>>) target_semaphore(%run_scoped3A : memref<!tpu.dma_semaphore, #tpu.memory_space<semaphore_mem>>)
      %dma_wait3A = arith.constant 2112 : i32
      %dma_wait3A_26 = tpu.memref_slice %arg13[%dma_wait3A] : memref<3520xf32, #tpu.memory_space<vmem>> -> memref<704xf32, #tpu.memory_space<vmem>>
      %dma_wait3A_27 = tpu.memref_slice %arg7[%mul3A_20] : memref<22528xf32, #tpu.memory_space<hbm>> -> memref<704xf32, #tpu.memory_space<hbm>>
      %dma_wait3A_28 = tpu.memref_slice %arg7[%mul3A_20] : memref<22528xf32, #tpu.memory_space<hbm>> -> memref<704xf32, #tpu.memory_space<hbm>>
      %dma_wait3A_29 = arith.constant 2112 : i32
      %dma_wait3A_30 = tpu.memref_slice %arg13[%dma_wait3A_29] : memref<3520xf32, #tpu.memory_space<vmem>> -> memref<704xf32, #tpu.memory_space<vmem>>
      tpu.wait_dma2 semaphore(%run_scoped3A : memref<!tpu.dma_semaphore, #tpu.memory_space<semaphore_mem>>) src(%dma_wait3A_30 : memref<704xf32, #tpu.memory_space<vmem>>) dst(%dma_wait3A_28 : memref<704xf32, #tpu.memory_space<hbm>>)
      tpu.yield
    }) : () -> ()
    "tpu.region"() ({
      %run_scoped3A = tpu.sem_alloc : memref<!tpu.dma_semaphore, #tpu.memory_space<semaphore_mem>>
      %dma_start3A = arith.constant 2816 : i32
      %dma_start3A_21 = tpu.memref_slice %arg13[%dma_start3A] : memref<3520xf32, #tpu.memory_space<vmem>> -> memref<704xf32, #tpu.memory_space<vmem>>
      %dma_start3A_22 = tpu.memref_slice %arg8[%mul3A_20] : memref<22528xf32, #tpu.memory_space<hbm>> -> memref<704xf32, #tpu.memory_space<hbm>>
      %dma_start3A_23 = tpu.memref_slice %arg8[%mul3A_20] : memref<22528xf32, #tpu.memory_space<hbm>> -> memref<704xf32, #tpu.memory_space<hbm>>
      %dma_start3A_24 = arith.constant 2816 : i32
      %dma_start3A_25 = tpu.memref_slice %arg13[%dma_start3A_24] : memref<3520xf32, #tpu.memory_space<vmem>> -> memref<704xf32, #tpu.memory_space<vmem>>
      tpu.enqueue_dma source(%dma_start3A_25 : memref<704xf32, #tpu.memory_space<vmem>>) target(%dma_start3A_23 : memref<704xf32, #tpu.memory_space<hbm>>) target_semaphore(%run_scoped3A : memref<!tpu.dma_semaphore, #tpu.memory_space<semaphore_mem>>)
      %dma_wait3A = arith.constant 2816 : i32
      %dma_wait3A_26 = tpu.memref_slice %arg13[%dma_wait3A] : memref<3520xf32, #tpu.memory_space<vmem>> -> memref<704xf32, #tpu.memory_space<vmem>>
      %dma_wait3A_27 = tpu.memref_slice %arg8[%mul3A_20] : memref<22528xf32, #tpu.memory_space<hbm>> -> memref<704xf32, #tpu.memory_space<hbm>>
      %dma_wait3A_28 = tpu.memref_slice %arg8[%mul3A_20] : memref<22528xf32, #tpu.memory_space<hbm>> -> memref<704xf32, #tpu.memory_space<hbm>>
      %dma_wait3A_29 = arith.constant 2816 : i32
      %dma_wait3A_30 = tpu.memref_slice %arg13[%dma_wait3A_29] : memref<3520xf32, #tpu.memory_space<vmem>> -> memref<704xf32, #tpu.memory_space<vmem>>
      tpu.wait_dma2 semaphore(%run_scoped3A : memref<!tpu.dma_semaphore, #tpu.memory_space<semaphore_mem>>) src(%dma_wait3A_30 : memref<704xf32, #tpu.memory_space<vmem>>) dst(%dma_wait3A_28 : memref<704xf32, #tpu.memory_space<hbm>>)
      tpu.yield
    }) : () -> ()
    return
  }
}

</mosaic_0001>

<sc_bundles>
// kernel: kernel.3.cloned.1.call-start
scs
__scs_entry_jumppad:
0x0: {  	(pc) =	sbr.rel $0x88, $3  }
0x1: {  	(tag) =	ssettag $0x0;
	lr =	simm.s32 $0x1  }
0x2: {  	[smem:$0x3F9F] =	sst lr;
	_ =	strace $0xD0000000  }
0x3: {  	_ = 	snop  }
0x4: {  	_ = 	snop  }
0x5: {  	_ = 	snop  }
0x6: {  	_ = 	snop  }
0x7: {  	_ = 	snop  }
__scs_overlays_trampoline_lowered:
0x8: {  	[smem:$0x3FAE] =	sst s0  }
0x9: {  	[smem:$0x3FAF] =	sst s1  }
0xa: {  	[smem:$0x3FB0] =	sst s2  }
0xb: {  	[smem:$0x3FB1] =	sst s3  }
0xc: {  	[smem:$0x3FB2] =	sst s4  }
0xd: {  	[smem:$0x3FB3] =	sst s5  }
0xe: {  	[smem:$0x3FB4] =	sst s6  }
0xf: {  	[smem:$0x3FB5] =	sst s7  }
0x10: {  	[smem:$0x3FB6] =	sst s8  }
0x11: {  	[smem:$0x3FB7] =	sst s9;
	s0 =	simm.s32 @!p0 $0x0  }
0x12: {  	s1 =	sld [smem:$0x3F9D];
	s0 =	simm.s32 @p0 $0x1  }
0x13: {  	[smem:$0x3FB8] =	sst s0;
	s0 =	simm.s32 @!p1 $0x0  }
0x14: {  	s2 =	sld [smem:$0x3F9C];
	s0 =	simm.s32 @p1 $0x1  }
0x15: {  	[smem:$0x3FB9] =	sst s0;
	s0 =	simm.s32 @!p2 $0x0  }
0x16: {  	s3 =	sld [smem:$0x3FDB];
	s0 =	simm.s32 @p2 $0x1  }
0x17: {  	s4 =	simm.s32 $0x1BF5;
	[smem:$0x3FBB] =	sst s0  }
0x18: {  	s0 =	sld [smem:$0x3F9E];
	_ =	swait.ge [sflag:s4], $0x0  }
0x19: {  	s7 =	sld [smem:$0x3F9F]  }
0x1a: {  	s8 =	sadd.s32 $0xFFFFE003, lr  }
0x1b: {  	s9 =	sadd.s32 $0xFFFFFEF7, lr;
	s5 =	simm.s32 $0xFFFFFFFF;
	p2 =	slt.u32 s8, $0xFFFFF086  }
0x1c: {  	p1 =	slt.u32 s9, $0xF7A;
	s5 =	simm.s32 @!p2 $0x0  }
0x1d: {  	s5 =	simm.s32 @p1 $0x1;
	p0 =	seq.s32 s7, s2  }
0x1e: {  	s7 =	smul.u32 @!p0 $0xF7A, s2;
	p2 =	seq.s32 @!p0 s5, $0x0  }
0x1f: {  	s9 =	smul.u32 $0xF7A, s1;
	s8 =	simm.s32 @!p0 $0x1BF5;
	p2 =	por !p2, p0  }
0x20: {  	[sflag:s8] =	ssyncset.s32 @!p0 $0xFFFFF086;
	s6 =	sadd.s32 @!p0 s3, s7;
	s7 =	simm.s32 @!p0 $0x108  }
0x21: {  	s3 =	sadd.s32 s3, s9;
	s6 =	sadd.s32 @!p0 $0x88, s6;
	s7 =	simm.s32 @p2 $0x1082  }
0x22: {  	[simem:s7], [sflag:s8] =	dma.local @!p0 [hbm:s6], $0xF7A  }
0x23: {  	s9 =	sor.u32 $0xD0000000, s2;
	s6 =	simm.s32 $0x108;
	_ =	swait.ge @!p0 [sflag:s8], $0x0  }
0x24: {  	s3 =	sadd.s32 $0x88, s3;
	s6 =	simm.s32 @!p1 $0x1082;
	[sflag:s4] =	ssyncset.s32 $0xFFFFF086  }
0x25: {  	[simem:s6], [sflag:s4] =	dma.local [hbm:s3], $0xF7A  }
0x26: {  	[smem:$0x3F9F] =	sst s1;
	(tag) =	ssettag s2;
	_ =	strace s9  }
0x27: {  	s1 =	sld [smem:$0x3FAF]  }
0x28: {  	s2 =	sld [smem:$0x3FB0]  }
0x29: {  	s4 =	sld [smem:$0x3FB2]  }
0x2a: {  	p0 =	seq.s32 s5, $0x0;
	s5 =	sld [smem:$0x3FB3]  }
0x2b: {  	s6 =	sld [smem:$0x3FB4]  }
0x2c: {  	s7 =	sld [smem:$0x3FB5]  }
0x2d: {  	s3 =	simm.s32 $0x108;
	s8 =	sld [smem:$0x3FB6]  }
0x2e: {  	s3 =	simm.s32 @!p0 $0x1082;
	s9 =	sld [smem:$0x3FB7]  }
0x2f: {  	lr =	sadd.s32 s0, s3;
	s0 =	sld [smem:$0x3FAE]  }
0x30: {  	s3 =	sld [smem:$0x3FB1]  }
0x31: {  	[smem:$0x3FBA] =	sst s10  }
0x32: {  	s10 =	sld [smem:$0x3FB8];
	_ =	sdelay $0x3  }
0x33: {  	p0 =	seq.s32 s10, $0x1;
	s10 =	sld [smem:$0x3FBA];
	_ =	sdelay $0x3  }
0x34: {  	[smem:$0x3FBA] =	sst s10  }
0x35: {  	s10 =	sld [smem:$0x3FB9];
	_ =	sdelay $0x3  }
0x36: {  	p1 =	seq.s32 s10, $0x1;
	s10 =	sld [smem:$0x3FBA];
	_ =	sdelay $0x3  }
0x37: {  	[smem:$0x3FBA] =	sst s10  }
0x38: {  	s10 =	sld [smem:$0x3FBB]  }
0x39: {  	_ = 	snop;
	(pc) =	sbr.ind lr, $3  }
0x3a: {  	_ = 	snop  }
0x3b: {  	_ = 	snop  }
0x3c: {  	p2 =	seq.s32 s10, $0x1;
	s10 =	sld [smem:$0x3FBA]  }
0x3d: {  	_ =	shalt  }
0x3e: {  	_ =	shalt  }
0x3f: {  	_ =	shalt  }
0x40: {  	_ =	shalt  }
0x41: {  	_ =	shalt  }
0x42: {  	_ =	shalt  }
0x43: {  	_ =	shalt  }
0x44: {  	_ =	shalt  }
0x45: {  	_ =	shalt  }
0x46: {  	_ =	shalt  }
0x47: {  	_ =	shalt  }
0x48: {  	_ =	shalt  }
0x49: {  	_ =	shalt  }
0x4a: {  	_ =	shalt  }
0x4b: {  	_ =	shalt  }
0x4c: {  	_ =	shalt  }
0x4d: {  	_ =	shalt  }
0x4e: {  	_ =	shalt  }
0x4f: {  	_ =	shalt  }
0x50: {  	_ =	shalt  }
0x51: {  	_ =	shalt  }
0x52: {  	_ =	shalt  }
0x53: {  	_ =	shalt  }
0x54: {  	_ =	shalt  }
0x55: {  	_ =	shalt  }
0x56: {  	_ =	shalt  }
0x57: {  	_ =	shalt  }
0x58: {  	_ =	shalt  }
0x59: {  	_ =	shalt  }
0x5a: {  	_ =	shalt  }
0x5b: {  	_ =	shalt  }
0x5c: {  	_ =	shalt  }
0x5d: {  	_ =	shalt  }
0x5e: {  	_ =	shalt  }
0x5f: {  	_ =	shalt  }
0x60: {  	_ =	shalt  }
0x61: {  	_ =	shalt  }
0x62: {  	_ =	shalt  }
0x63: {  	_ =	shalt  }
0x64: {  	_ =	shalt  }
0x65: {  	_ =	shalt  }
0x66: {  	_ =	shalt  }
0x67: {  	_ =	shalt  }
0x68: {  	_ =	shalt  }
0x69: {  	_ =	shalt  }
0x6a: {  	_ =	shalt  }
0x6b: {  	_ =	shalt  }
0x6c: {  	_ =	shalt  }
0x6d: {  	_ =	shalt  }
0x6e: {  	_ =	shalt  }
0x6f: {  	_ =	shalt  }
0x70: {  	_ =	shalt  }
0x71: {  	_ =	shalt  }
0x72: {  	_ =	shalt  }
0x73: {  	_ =	shalt  }
0x74: {  	_ =	shalt  }
0x75: {  	_ =	shalt  }
0x76: {  	_ =	shalt  }
0x77: {  	_ =	shalt  }
0x78: {  	_ =	shalt  }
0x79: {  	_ =	shalt  }
0x7a: {  	_ =	shalt  }
0x7b: {  	_ =	shalt  }
0x7c: {  	_ =	shalt  }
0x7d: {  	_ =	shalt  }
0x7e: {  	_ =	shalt  }
0x7f: {  	_ =	shalt  }
0x80: {  	_ =	shalt  }
0x81: {  	_ =	shalt  }
0x82: {  	_ =	shalt  }
0x83: {  	_ =	shalt  }
0x84: {  	_ =	shalt  }
0x85: {  	_ =	shalt  }
0x86: {  	_ =	shalt  }
0x87: {  	_ =	shalt  }
.Lfunc_end0:
.L_simem_size_0:
called_computation_lowered:
.L_overlay_start_0:
0x88: {  	s2 =	sld [smem:$0x3FD9]  }
0x89: {  	s3 =	sld [smem:$0x3FFE];
	_ =	sdelay $0x1  }
0x8a: {  	s1 =	srdreg.scid  }
0x8b: {  	s0 =	sand.u32 $0x1, s1  }
0x8c: {  	s14 =	sshll.u32 s0, $0xA;
	s2 =	sadd.s32 s3, s2  }
0x8d: {  	s2 =	sadd.s32 s2, s14  }
0x8e: {  	[smem:$0x3FC6] =	sst s2  }
0x8f: {  	_ = 	snop  }
0x90: {  	s2 =	sld [smem:$0x3FD0];
	_ =	sdelay $0x2  }
0x91: {  	s15 =	simm.s32 $0xA;
	s4 =	simm.s32 $0x10  }
0x92: {  	[smem:s4], [sflag:s15] =	dma.local [hbm:s2], $0x1  }
0x93: {  	_ =	swait.eq [sflag:s15], $0x1  }
0x94: {  	s16 =	sld [smem:$0x10];
	[sflag:s15] =	ssyncset.done $0x0  }
0x95: {  	s17 =	sld [smem:$0x11];
	[sflag:s15] =	ssyncadd.s32 $0xFFFFFFFF  }
0x96: {  	s18 =	sld [smem:$0x12];
	(tm) =	ssettm $0x1  }
0x97: {  	s5 =	sld [smem:$0x3FFB];
	_ =	sdelay $0x3  }
0x98: {  	_ =	strace s5  }
0x99: {  	s5 =	sld [smem:$0x3FFC];
	_ =	sdelay $0x3  }
0x9a: {  	_ =	strace s5  }
0x9b: {  	s5 =	sld [smem:$0x3FFD];
	_ =	sdelay $0x3  }
0x9c: {  	_ =	strace s5  }
0x9d: {  	_ =	strace $0x8FFFFFFF  }
0x9e: {  	s19 =	sld [smem:$0x3FDB];
	_ =	sdelay $0x1  }
0x9f: {  	s6 =	simm.s32 $_scs_section_size  }
0xa0: {  	s7 =	simm.s32 $_size__tile_overlayer_lowered;
	s8 =	simm.s32 $_tile_overlayer_lowered  }
0xa1: {  	s22 =	simm.s32 $0x1BFF;
	s21 =	sshll.u32 s8, $0x1;
	s5 =	sadd.s32 s6, s19  }
0xa2: {  	s9 =	simm.s32 $0x0;
	s20 =	sshll.u32 s7, $0x1;
	s7 =	sadd.s32 s21, s5  }
0xa3: {  	[timem:s9], [sflag:s22] =	dma.local [hbm:s7], s20  }
0xa4: {  	_ =	swait.ge [sflag:s22], s20  }
0xa5: {  	s6 =	ssub.s32 $0x0, s20;
	[sflag:s22] =	ssyncset.done $0x0  }
0xa6: {  	[sflag:s22] =	ssyncadd.s32 s6;
	_ =	sdelay $0x1  }
0xa7: {  	s23 =	simm.s32 $0x1B8B  }
0xa8: {  	_ =	swait.ge [sflag:s23], $0x1  }
0xa9: {  	[sflag:s23] =	ssyncset.done $0x0  }
0xaa: {  	s25 =	simm.s32 $0x1B8E;
	s24 =	sld [smem:$0x3FFE];
	[sflag:s23] =	ssyncadd.s32 $0xFFFFFFFF  }
0xab: {  	s26 =	simm.s32 $execute0_lowered;
	[smem:$0x3FD2] =	sst s25  }
0xac: {  	s7 =	sshll.u32 s26, $0x1;
	_ =	strace $0x80000046;
	[dreg:$0x1] =	wrdreg $0xFFFFFFFF  }
0xad: {  	s28 =	simm.s32 $_size_execute0_lowered;
	s5 =	sadd.s32 s5, s7;
	[dreg:$0x0] =	wrdreg $0x0  }
0xae: {  	s7 =	sshll.u32 s28, $0x1;
	[dreg:$0x2] =	wrdreg s5  }
0xaf: {  	[dreg:$0x3] =	wrdreg s7  }
0xb0: {  	[dreg:$0x4] =	wrdreg $0xC0  }
0xb1: {  	_ =	task [dreg:s9], $0x5FFFF  }
0xb2: {  	[dreg:$0x1] =	wrdreg $0xFFFFFFFF  }
0xb3: {  	[dreg:$0x0] =	wrdreg $0x60  }
0xb4: {  	[dreg:$0x2] =	wrdreg s17  }
0xb5: {  	[dreg:$0x3] =	wrdreg s18  }
0xb6: {  	[dreg:$0x4] =	wrdreg s16  }
0xb7: {  	[dreg:$0x5] =	wrdreg s24  }
0xb8: {  	[dreg:$0x6] =	wrdreg $0x9  }
0xb9: {  	_ =	task.clear_ibuf [dreg:s9], $0x7FFFF;
	_ =	strace $0x90000046  }
0xba: {  	s29 =	simm.s32 $0x9;
	_ =	strace $0x80000048  }
0xbb: {  	_ =	swait.ge [sflag:s29], $0x1  }
0xbc: {  	[sflag:s29] =	ssyncadd.s32 $0xFFFFFFFF  }
0xbd: {  	_ =	strace $0x90000048  }
0xbe: {  	_ =	sfence  }
0xbf: {  	s30 =	sld [smem:$0x0];
	_ =	sdelay $0x2  }
0xc0: {  	s31 =	sshll.u32 s1, $0xD;
	s1 =	sshrl.u32 s1, $0x2  }
0xc1: {  	s3 =	sand.u32 $0x4000, s31;
	s1 =	sadd.s32 s1, s30  }
0xc2: {  	s0 =	sor.u32 s3, s0;
	s1 =	sshll.u32 s1, $0x11  }
0xc3: {  	s0 =	sor.u32 s1, s0  }
0xc4: {  	s0 =	sadd.s32 $0x8F2B, s0  }
0xc5: {  	[sflag:s0] =	ssyncadd.remote.s32 $0x1  }
0xc6: {  	_ =	sfence.sel $0xFFFF  }
0xc7: {  	[dreg:$0x0] =	wrdreg $0xFFFFFFFF;
	(pc) =	sbr.abs _section_cstart, $3  }
0xc8: {  	[dreg:$0x1] =	wrdreg $0xFFFFFFFF  }
0xc9: {  	_ =	task.clear_ibuf [dreg:s9], $0x2FFFF;
	_ =	strace $0x9FFFFFFF  }
0xca: {  	(tm) =	ssettm $0x7FFFFFFF  }
0xcb: {  	_ =	shalt  }
tec
execute0_lowered:
.L_overlay_start_1:
0x0: {  	(tag) =	ssettag $0x1  }
0x1: {  	s1 =	rddreg [dreg:$0x1]  }
0x2: {  	s0 =	srdreg.scid;
	s2 =	rddreg [dreg:$0x2]  }
0x3: {  	s7 =	stileid.u32;
	s4 =	rddreg [dreg:$0x3]  }
0x4: {  	s11 =	simm.s32 $0x1;
	s15 =	simm.s32 $0x180;
	s0 =	sand.u32 $0x1, s0  }
0x5: {  	s21 =	simm.s32 $0x0;
	s22 =	simm.s32 $0x0;
	s3 =	sshll.u32 s0, $0x4  }
0x6: {  	s0 =	ssub.s32 $0x2, s0;
	s5 =	sor.u32 s7, s3;
	s3 =	simm.s32 $0x0  }
0x7: {  	s7 =	sshll.u32 s7, $0x7;
	s6 =	sshrl.u32 s5, $0x3;
	s5 =	smul.u32 $0x58, s5  }
0x8: {  	s8 =	sshrl.u32 s0, $0x1;
	[smem:$0x7FF] =	sst s3;
	s7 =	sand.u32 $0x380, s7  }
0x9: {  	s6 =	smul.u32 $0x5800, s6;
	s4 =	sadd.s32 s5, s4;
	s28 =	sadd.s32 s2, s5  }
0xa: {  	_ =	strace $0x80000047;
	[dreg:$0x6] =	wrdreg s28;
	s29 =	sadd.s32 $0xC00, s4  }
0xb: {  	s6 =	sor.u32 s7, s6;
	s30 =	sadd.s32 $0x1800, s4;
	[dreg:$0x7] =	wrdreg s29  }
0xc: {  	s31 =	sadd.s32 $0x2400, s4;
	s6 =	sshrl.u32 s6, $0x3;
	[dreg:$0x8] =	wrdreg s30  }
0xd: {  	s0 =	ssub.s32 s0, s8;
	[dreg:$0x9] =	wrdreg s31;
	s1 =	sadd.s32 s1, s6  }
0xe: {  	s10 =	smax.u32 s0, $0x1;
	s9 =	sadd.s32 $0x3000, s4;
	[dreg:$0x5] =	wrdreg s1  }
.LBB2_1:
0xf: {  	s0 =	rddreg [dreg:$0x0]  }
0x10: {  	[tilespmem:s3], [sflag:$0x1] =	stream.linear.gather [hbm4b:s0+s3], $0x180, $0x38;
	[tilespmem:$0x3280] =	vst v63  }
0x11: {  	_ =	swait.ge [sflag:s11], $0x180  }
0x12: {  	s1 =	simm.s32 $0x80;
	s2 =	simm.s32 $0x400;
	[sflag:s11] =	ssyncset.done $0x0  }
0x13: {  	v5 =	vimm.s32 $0x0;
	s4 =	simm.s32 $0x1980;
	s30 =	rddreg [dreg:$0x5];
	[sflag:s11] =	ssyncadd.s32 $0xFFFFFE80  }
0x14: {  	v6 =	vadd.s32 $0x3, v5;
	[tilespmem:s4], [sflag:$0x1] =	stream.strided.gather [hbm4b:s30+s1], $0xB00, s2, s1, $0x38;
	[tilespmem:$0x3280] =	vst v63  }
0x15: {  	v7 =	vadd.s32 $0x2, v5;
	_ =	swait.ge [sflag:s11], $0xB00  }
0x16: {  	v8 =	vadd.s32 $0x1, v5;
	[sflag:s11] =	ssyncset.done $0x0  }
0x17: {  	[sflag:s11] =	ssyncadd.s32 $0xFFFFF500  }
0x18: {  	v9 =	vld.idx.msk [tilespmem:v5+s3+$0x0], $0xffff  }
0x19: {  	v10 =	vadd.s32 $0x4, v5;
	v6 =	vld.idx.msk [tilespmem:v6+s3+$0x0], $0xffff  }
0x1a: {  	v7 =	vld.idx.msk [tilespmem:v7+s3+$0x0], $0xffff  }
0x1b: {  	v8 =	vld.idx.msk [tilespmem:v8+s3+$0x0], $0xffff;
	_ =	sdelay $0x2  }
0x1c: {  	v11 =	vld.idx.msk [tilespmem:v10+s3+$0x0], $0xffff  }
0x1d: {  	s31 =	sand.u32 $0x3F0, s3;
	[tilespmem:s15+$0x0] =	vst v9  }
0x1e: {  	v9 =	vsub.f32 v7, v9;
	[tilespmem:s31+$0xD80] =	vst v6;
	v6 =	vsub.f32 v6, v8  }
0x1f: {  	[tilespmem:s31+$0x980] =	vst v7  }
0x20: {  	s5 =	simm.s32 $0x1580;
	s0 =	simm.s32 $0x1580;
	v5 =	vadd.s32 $0x5, v5;
	[tilespmem:s31+$0x580] =	vst v8;
	v9 =	vadd.f32 $1.000000000e+00, v9;
	v10 =	vadd.f32 $1.000000000e+00, v6  }
0x21: {  	s1 =	simm.s32 $0x10;
	s4 =	simm.s32 $0x20;
	s2 =	simm.s32 $0x180;
	[tilespmem:s31+$0x1180] =	vst v11;
	v7 =	vadd.s32 $0x2, v5;
	v8 =	vadd.s32 $0x3, v5;
	v6 =	vadd.s32 $0x1, v5  }
.LBB2_2:
0x22: {  	p0 =	sne.s32 s4, $0x3F0;
	v9 =	vmul.f32 v10, v9;
	s2 =	sadd.s32 $0x10, s2;
	s0 =	sadd.s32 $0x10, s0  }
0x23: {  	s6 =	smov.u32 s4;
	s4 =	sadd.s32 $0x10, s4  }
0x24: {  	[tilespmem:s5+$0x0] =	vst v9;
	s5 =	smov.u32 s0  }
0x25: {  	v10 =	vadd.s32 $0x4, v5;
	v9 =	vld.idx.msk [tilespmem:v5+s3+$0x0], $0xffff  }
0x26: {  	v8 =	vld.idx.msk [tilespmem:v8+s3+$0x0], $0xffff  }
0x27: {  	v7 =	vld.idx.msk [tilespmem:v7+s3+$0x0], $0xffff  }
0x28: {  	v6 =	vld.idx.msk [tilespmem:v6+s3+$0x0], $0xffff;
	_ =	sdelay $0x1  }
0x29: {  	v10 =	vld.idx.msk [tilespmem:v10+s3+$0x0], $0xffff  }
0x2a: {  	s7 =	sand.u32 $0x3F0, s1;
	s1 =	smov.u32 s6;
	[tilespmem:s2+$0x0] =	vst v9  }
0x2b: {  	[tilespmem:s7+$0xD80] =	vst v8  }
.Ltmp0:
0x2c: {  	[tilespmem:s7+$0x980] =	vst v7;
	v7 =	vsub.f32 v7, v9;
	(pc) =	sbr.rel @p0 .LBB2_2-.Ltmp0, $4  }
0x2d: {  	[tilespmem:s7+$0x580] =	vst v6;
	v6 =	vsub.f32 v8, v6  }
0x2e: {  	v9 =	vadd.f32 $1.000000000e+00, v7  }
0x2f: {  	v5 =	vadd.s32 $0x5, v5;
	[tilespmem:s7+$0x1180] =	vst v10;
	v10 =	vadd.f32 $1.000000000e+00, v6  }
0x30: {  	v8 =	vadd.s32 $0x3, v5;
	v7 =	vadd.s32 $0x2, v5;
	v6 =	vadd.s32 $0x1, v5  }
0x31: {  	_ = 	snop  }
0x32: {  	v9 =	vmul.f32 v10, v9;
	_ =	sdelay $0x1  }
0x33: {  	[tilespmem:s5+$0x0] =	vst v9  }
0x34: {  	v9 =	vld.idx.msk [tilespmem:v5+s3+$0x0], $0xffff  }
0x35: {  	v8 =	vld.idx.msk [tilespmem:v8+s3+$0x0], $0xffff  }
0x36: {  	v7 =	vld.idx.msk [tilespmem:v7+s3+$0x0], $0xffff  }
0x37: {  	v58 =	vadd.s32 $0x4, v5;
	v6 =	vld.idx.msk [tilespmem:v6+s3+$0x0], $0xffff;
	_ =	sdelay $0x4  }
0x38: {  	s2 =	sadd.s32 $0x10, s2;
	v5 =	vld.idx.msk [tilespmem:v58+s3+$0x0], $0xffff;
	v59 =	vsub.f32 v7, v9;
	v11 =	vsub.f32 v8, v6  }
0x39: {  	s1 =	sand.u32 $0x3F0, s1;
	[tilespmem:s2+$0x0] =	vst v9  }
0x3a: {  	v0 =	vimm.s32 $0x140;
	[tilespmem:s1+$0xD80] =	vst v8;
	v60 =	vadd.f32 $1.000000000e+00, v59;
	v61 =	vadd.f32 $1.000000000e+00, v11  }
0x3b: {  	[tilespmem:s1+$0x980] =	vst v7  }
0x3c: {  	[tilespmem:s1+$0x580] =	vst v6;
	v62 =	vmul.f32 v61, v60  }
0x3d: {  	s0 =	sadd.s32 $0x10, s0;
	[tilespmem:s1+$0x1180] =	vst v5  }
0x3e: {  	[tilespmem:s0+$0x0] =	vst v62  }
0x3f: {  	v63 =	vimm.s32 $0x141;
	v0 =	vld.idx.msk [tilespmem:v0+s22+$0x0], $0xffff;
	_ =	sdelay $0x4  }
0x40: {  	[tilespmem:$0x1FFE0] =	vst v0;
	v0 =	vld.idx.msk [tilespmem:v63+s22+$0x0], $0xffff;
	_ =	sdelay $0x4  }
0x41: {  	s23 =	simm.s32 $0x0;
	[tilespmem:$0x1FFF0] =	vst v0  }
.LBB2_4:
0x42: {  	s24 =	sshll.u32 s23, $0x6  }
0x43: {  	v30 =	vld [tilespmem:s24+$0x1980]  }
0x44: {  	v28 =	vld [tilespmem:s24+$0x1C40]  }
0x45: {  	v29 =	vld [tilespmem:s24+$0x21C0]  }
0x46: {  	v20 =	vld [tilespmem:s24+$0x1990]  }
0x47: {  	v19 =	vld [tilespmem:s24+$0x1C50]  }
0x48: {  	v22 =	vld [tilespmem:s24+$0x1F10]  }
0x49: {  	v21 =	vld [tilespmem:s24+$0x21D0]  }
0x4a: {  	v14 =	vld [tilespmem:s24+$0x19A0]  }
0x4b: {  	v13 =	vld [tilespmem:s24+$0x1C60]  }
0x4c: {  	s0 =	sand.u32 $0x380, s24;
	s12 =	sand.u32 $0x40, s24;
	v8 =	vld [tilespmem:s24+$0x19B0]  }
0x4d: {  	v2 =	vld [tilespmem:s24+$0x1C70];
	s1 =	sor.u32 s12, s0  }
0x4e: {  	v31 =	vld [tilespmem:s1+$0x1F00]  }
0x4f: {  	v9 =	vld [tilespmem:s24+$0x1F30]  }
0x50: {  	v10 =	vld [tilespmem:s24+$0x21F0]  }
0x51: {  	v15 =	vld [tilespmem:s24+$0x21E0]  }
0x52: {  	v16 =	vld [tilespmem:s24+$0x1F20];
	v12 =	vsub.f32 v29, v28;
	v17 =	vsub.f32 v22, v20  }
0x53: {  	s2 =	simm.s32 $0x1590;
	v18 =	vsub.f32 v21, v19;
	v11 =	vsub.f32 v31, v30  }
0x54: {  	v25 =	vld [tilespmem:s2+$0x0];
	v26 =	vsub.f32 v9, v8;
	v0 =	vadd.f32 $1.000000000e+00, v12  }
0x55: {  	s4 =	simm.s32 $0x180;
	v34 =	vld [tilespmem:s2+$0xFFFFFFF0];
	v27 =	vsub.f32 v10, v2;
	v1 =	vadd.f32 $1.000000000e+00, v11  }
0x56: {  	v35 =	vld [tilespmem:s4+$0x10];
	v5 =	vadd.f32 $1.000000000e+00, v18;
	v12 =	vsub.f32 v15, v13;
	[tilespmem:$0x1FF50] =	vst v0  }
0x57: {  	v6 =	vadd.f32 $1.000000000e+00, v17;
	v11 =	vsub.f32 v16, v14;
	[tilespmem:$0x1FF60] =	vst v1  }
0x58: {  	v62 =	vadd.f32 $1.000000000e+00, v26;
	v3 =	vadd.f32 $1.000000000e+00, v12;
	v26 =	vld [tilespmem:s4+$0x810];
	[tilespmem:$0x1FF70] =	vst v5  }
0x59: {  	v4 =	vadd.f32 $1.000000000e+00, v11;
	[tilespmem:$0x1FF80] =	vst v6  }
0x5a: {  	v63 =	vadd.f32 $1.000000000e+00, v27;
	[tilespmem:$0x1FF90] =	vst v3  }
0x5b: {  	v39 =	vmul.f32 v5, v6;
	[tilespmem:$0x1FFA0] =	vst v4  }
0x5c: {  	v53 =	vmax.f32 v20, v35;
	v41 =	vmul.f32 v63, v62;
	v27 =	vld [tilespmem:s4+$0xC10];
	[tilespmem:$0x1FFB0] =	vst v63  }
0x5d: {  	v57 =	vmax.f32 v14, v35;
	v37 =	vmul.f32 v0, v1;
	v46 =	vadd.f32 v25, v39;
	[tilespmem:$0x1FFC0] =	vst v62  }
0x5e: {  	v36 =	vadd.f32 v25, v41;
	v44 =	vadd.f32 v34, v39;
	v40 =	vmul.f32 v3, v4;
	v48 =	vld [tilespmem:s4+$0x410]  }
0x5f: {  	s26 =	sand.u32 $0x3E0, s22;
	v38 =	vadd.f32 v34, v41;
	v5 =	vmax.f32 v30, v35;
	v43 =	vadd.f32 v25, v37;
	v49 =	vld [tilespmem:s4+$0x0]  }
0x60: {  	v35 =	vmax.f32 v8, v35;
	v47 =	vadd.f32 v34, v37;
	v45 =	vadd.f32 v25, v40;
	v59 =	vld [tilespmem:s26+$0x580]  }
0x61: {  	v42 =	vadd.f32 v34, v40;
	v61 =	vld [tilespmem:s26+$0x980];
	v25 =	vmin.f32 v31, v26;
	v52 =	vmin.f32 v22, v26  }
0x62: {  	v62 =	vld [tilespmem:s26+$0xD80];
	v56 =	vmin.f32 v16, v26;
	v26 =	vmin.f32 v9, v26;
	v25 =	vsub.f32 v25, v5  }
0x63: {  	v26 =	vsub.f32 v26, v35;
	v50 =	vmin.f32 v29, v27;
	v54 =	vmin.f32 v21, v27  }
0x64: {  	v58 =	vmin.f32 v15, v27;
	v27 =	vmin.f32 v10, v27;
	v51 =	vmax.f32 v28, v48  }
0x65: {  	v55 =	vmax.f32 v19, v48;
	v60 =	vmax.f32 v13, v48;
	v48 =	vmax.f32 v2, v48  }
0x66: {  	v63 =	vmax.f32 v30, v49;
	v35 =	vmin.f32 v31, v61;
	v0 =	vmin.f32 v16, v61  }
0x67: {  	v1 =	vmin.f32 v15, v62;
	v3 =	vmax.f32 v13, v59;
	v5 =	vadd.f32 $1.000000000e+00, v25  }
0x68: {  	v33 =	vmin.f32 v9, v61;
	v26 =	vadd.f32 $1.000000000e+00, v26;
	v34 =	vsub.f32 v50, v51  }
0x69: {  	v50 =	vmax.f32 v20, v49;
	v51 =	vsub.f32 v52, v53;
	v52 =	vsub.f32 v54, v55  }
0x6a: {  	v53 =	vmax.f32 v14, v49;
	v54 =	vsub.f32 v56, v57;
	v55 =	vsub.f32 v58, v60  }
0x6b: {  	v49 =	vmax.f32 v8, v49;
	v27 =	vsub.f32 v27, v48;
	v48 =	vmin.f32 v29, v62  }
0x6c: {  	v56 =	vmax.f32 v28, v59;
	v57 =	vmin.f32 v22, v61;
	v58 =	vmin.f32 v21, v62  }
0x6d: {  	v60 =	vmax.f32 v19, v59;
	v35 =	vsub.f32 v35, v63;
	v1 =	vsub.f32 v1, v3  }
0x6e: {  	v62 =	vmin.f32 v10, v62;
	v48 =	vsub.f32 v48, v56;
	v50 =	vsub.f32 v57, v50  }
0x6f: {  	v63 =	vmax.f32 v2, v59;
	v61 =	vsub.f32 v58, v60;
	v0 =	vsub.f32 v0, v53  }
0x70: {  	v49 =	vsub.f32 v33, v49;
	v3 =	vsub.f32 v62, v63  }
0x71: {  	v34 =	vadd.f32 $1.000000000e+00, v34;
	v51 =	vadd.f32 $1.000000000e+00, v51  }
0x72: {  	v52 =	vadd.f32 $1.000000000e+00, v52;
	v54 =	vadd.f32 $1.000000000e+00, v54  }
0x73: {  	v55 =	vadd.f32 $1.000000000e+00, v55;
	v27 =	vadd.f32 $1.000000000e+00, v27  }
0x74: {  	v25 =	vimm.s32 $0x0;
	v35 =	vadd.f32 $1.000000000e+00, v35;
	v1 =	vadd.f32 $1.000000000e+00, v1  }
0x75: {  	v57 =	vmax.f32 v5, $0.0e+00;
	v48 =	vadd.f32 $1.000000000e+00, v48;
	v56 =	vadd.f32 $1.000000000e+00, v50  }
0x76: {  	v50 =	vimm.f32 $-1.000000000e+00;
	v61 =	vadd.f32 $1.000000000e+00, v61;
	v0 =	vadd.f32 $1.000000000e+00, v0  }
0x77: {  	v58 =	vadd.f32 $1.000000000e+00, v49;
	v59 =	vadd.f32 $1.000000000e+00, v3;
	v49 =	vimm.f32 $-1.000000000e+00  }
0x78: {  	v34 =	vmax.f32 v34, $0.0e+00;
	v4 =	vmax.f32 v51, $0.0e+00;
	v5 =	vmax.f32 v52, $0.0e+00  }
0x79: {  	v32 =	vmax.f32 v54, $0.0e+00;
	v33 =	vmax.f32 v55, $0.0e+00;
	v55 =	vmax.f32 v26, $0.0e+00  }
0x7a: {  	s5 =	simm.s32 $0x0;
	s6 =	simm.s32 $0x15B0;
	s7 =	simm.s32 $0x0;
	v35 =	vmax.f32 v35, $0.0e+00;
	v63 =	vmax.f32 v1, $0.0e+00;
	v51 =	vimm.s32 $0x0  }
0x7b: {  	s20 =	sadd.s32 $0x2C0, s24;
	s18 =	sadd.s32 $0x840, s24;
	s17 =	sor.u32 $0x10, s24;
	v54 =	vmul.f32 v34, v57;
	v52 =	vmul.f32 v5, v4;
	v57 =	vmax.f32 v27, $0.0e+00  }
0x7c: {  	s16 =	sadd.s32 $0x2D0, s24;
	s13 =	sadd.s32 $0x590, s24;
	s14 =	sadd.s32 $0x850, s24;
	v26 =	vmax.f32 v48, $0.0e+00;
	v48 =	vmul.f32 v33, v32;
	v60 =	vmax.f32 v56, $0.0e+00  }
0x7d: {  	s31 =	sadd.s32 $0x2E0, s24;
	s2 =	sadd.s32 $0x5A0, s24;
	s30 =	sadd.s32 $0x860, s24;
	v62 =	vmax.f32 v61, $0.0e+00;
	v61 =	vmax.f32 v0, $0.0e+00;
	v27 =	vimm.f32 $-1.000000000e+00  }
0x7e: {  	s28 =	sor.u32 $0x30, s24;
	s29 =	sadd.s32 $0x2F0, s24;
	s25 =	sadd.s32 $0x870, s24;
	v34 =	vimm.s32 $0x0;
	v56 =	vmul.f32 v26, v35;
	v35 =	vimm.f32 $-1.000000000e+00  }
0x7f: {  	s19 =	sadd.s32 $0x580, s1;
	s1 =	sor.u32 $0x20, s24;
	[tilespmem:$0x1FFD0] =	vst v2;
	s26 =	sadd.s32 $0x5B0, s24;
	v26 =	vimm.s32 $0x0;
	v53 =	vsub.f32 v43, v54;
	v43 =	vimm.s32 $0x0  }
.LBB2_5:
0x80: {  	v0 =	vld [tilespmem:s6+$0x0];
	v55 =	vmul.f32 v57, v55;
	v1 =	vmax.f32 v58, $0.0e+00  }
0x81: {  	v32 =	vld [tilespmem:s6+$0xFFFFFFF0];
	s4 =	sadd.s32 $0x20, s4;
	v3 =	vmax.f32 v59, $0.0e+00;
	v46 =	vsub.f32 v46, v52;
	v58 =	vmul.f32 v62, v60  }
0x82: {  	v47 =	vsub.f32 v47, v56;
	(erf) = vrcp.f32 v53;
	v60 =	vmul.f32 v63, v61;
	v61 =	vld [tilespmem:s4+$0x10]  }
0x83: {  	v45 =	vsub.f32 v45, v48;
	v57 =	vld [tilespmem:s4+$0xC10];
	v1 =	vmul.f32 v3, v1;
	v33 =	vsub.f32 v36, v55  }
0x84: {  	v62 =	vld [tilespmem:s4+$0x410];
	(erf) = vrcp.f32 v46;
	v44 =	vsub.f32 v44, v58;
	v42 =	vsub.f32 v42, v60  }
0x85: {  	(erf) = vrcp.f32 v47;
	v38 =	vsub.f32 v38, v1;
	v53 =	vadd.f32 v0, v37  }
0x86: {  	v3 =	vld [tilespmem:s4+$0x810];
	(erf) = vrcp.f32 v45;
	v46 =	vadd.f32 v0, v39;
	v45 =	vadd.f32 v0, v40  }
0x87: {  	v36 =	vadd.f32 v0, v41;
	v47 =	vadd.f32 v32, v37;
	v0 =	vor.u32 $0x1, v25  }
0x88: {  	(erf) = vrcp.f32 v44;
	v44 =	vadd.f32 v32, v39;
	v2 =	vmin.f32 v29, v57  }
0x89: {  	v5 =	vmax.f32 v28, v62;
	v11 =	vmax.f32 v20, v61;
	(erf) = vrcp.f32 v42  }
0x8a: {  	v17 =	vmin.f32 v21, v57;
	v18 =	vmax.f32 v19, v62;
	(erf) = vrcp.f32 v38  }
0x8b: {  	v7 =	vmax.f32 v13, v62;
	v42 =	vadd.f32 v32, v40;
	v59 =	vmin.f32 v31, v3  }
0x8c: {  	v6 =	vmin.f32 v22, v3;
	v23 =	vmin.f32 v16, v3;
	(erf) = vrcp.f32 v33  }
0x8d: {  	v2 =	vsub.f32 v2, v5;
	v38 =	vadd.f32 v32, v41;
	v32 =	vmax.f32 v14, v61;
	v4 =	vpop (erf)  }
0x8e: {  	v6 =	vsub.f32 v6, v11;
	v11 =	vsub.f32 v17, v18;
	v33 =	vmin.f32 v15, v57;
	v12 =	vpop (erf)  }
0x8f: {  	v3 =	vmin.f32 v9, v3;
	v18 =	vsub.f32 v23, v32;
	v7 =	vsub.f32 v33, v7;
	v24 =	vpop (erf)  }
0x90: {  	v2 =	vadd.f32 $1.000000000e+00, v2;
	v6 =	vadd.f32 $1.000000000e+00, v6;
	v24 =	vmul.f32 v24, v56;
	v56 =	vpop (erf)  }
0x91: {  	v4 =	vmul.f32 v4, v54;
	v7 =	vadd.f32 $1.000000000e+00, v7;
	v12 =	vmul.f32 v12, v52;
	v54 =	vpop (erf)  }
0x92: {  	v48 =	vmul.f32 v56, v48;
	vm0 =	vgt.f32 v24, v50;
	v52 =	vpop (erf);
	v54 =	vmul.f32 v54, v58  }
0x93: {  	v24 =	vsel vm0, v24, v50;
	v51 =	vsel vm0, v25, v51;
	v58 =	vpop (erf);
	v52 =	vmul.f32 v52, v60  }
0x94: {  	v1 =	vmul.f32 v58, v1;
	vm14 =	vgt.f32 v4, v24;
	vm15 =	vgt.f32 v54, v49  }
0x95: {  	v60 =	vpop (erf);
	v58 =	vmax.f32 v8, v61;
	v50 =	vsel vm14, v4, v24;
	v51 =	vsel vm14, v0, v51  }
0x96: {  	v60 =	vmul.f32 v60, v55;
	vm1 =	vgt.f32 v52, v35;
	v24 =	vsel vm15, v54, v49  }
0x97: {  	s7 =	sadd.s32 $0x20, s7;
	v56 =	vsel vm15, v25, v43;
	vm2 =	vgt.f32 v1, v27;
	v35 =	vsel vm1, v52, v35  }
0x98: {  	s8 =	sand.u32 $0x3E0, s7;
	v52 =	vld [tilespmem:s4+$0x0];
	vm3 =	vgt.f32 v12, v24;
	v1 =	vsel vm2, v1, v27;
	vm4 =	vgt.f32 v48, v35  }
0x99: {  	v49 =	vsel vm3, v12, v24;
	vm5 =	vgt.f32 v60, v1;
	v35 =	vsel vm4, v48, v35;
	v48 =	vld [tilespmem:s8+$0x980]  }
0x9a: {  	v12 =	vsel vm1, v25, v34;
	v24 =	vsel vm2, v25, v26;
	v27 =	vsel vm5, v60, v1;
	v1 =	vld [tilespmem:s8+$0x580]  }
0x9b: {  	v43 =	vsel vm3, v0, v56;
	v34 =	vsel vm4, v0, v12;
	v26 =	vsel vm5, v0, v24;
	v0 =	vld [tilespmem:s8+$0xD80]  }
0x9c: {  	v63 =	vmax.f32 v30, v61;
	v11 =	vadd.f32 $1.000000000e+00, v11;
	v3 =	vsub.f32 v3, v58;
	v60 =	vld [tilespmem:$0x1FFD0]  }
0x9d: {  	v18 =	vadd.f32 $1.000000000e+00, v18;
	v7 =	vmax.f32 v7, $0.0e+00;
	v55 =	vsub.f32 v59, v63  }
0x9e: {  	v3 =	vadd.f32 $1.000000000e+00, v3;
	v25 =	vadd.s32 $0x2, v25;
	v12 =	vmin.f32 v10, v57  }
0x9f: {  	v54 =	vmax.f32 v30, v52;
	v5 =	vmax.f32 v20, v52;
	v17 =	vmax.f32 v14, v52  }
0xa0: {  	v23 =	vmax.f32 v8, v52;
	v33 =	vmin.f32 v22, v48;
	v61 =	vmin.f32 v16, v48  }
0xa1: {  	v24 =	vmax.f32 v60, v62;
	v32 =	vmax.f32 v28, v1;
	v52 =	vmin.f32 v21, v0  }
0xa2: {  	v56 =	vmax.f32 v19, v1;
	v62 =	vmin.f32 v15, v0;
	v63 =	vmax.f32 v13, v1  }
0xa3: {  	v5 =	vsub.f32 v33, v5;
	v17 =	vsub.f32 v61, v17;
	v1 =	vmax.f32 v60, v1  }
0xa4: {  	v60 =	vadd.f32 $1.000000000e+00, v55;
	v55 =	vmax.f32 v3, $0.0e+00;
	v4 =	vsub.f32 v12, v24  }
0xa5: {  	v12 =	vmin.f32 v31, v48;
	v24 =	vmin.f32 v29, v0;
	v56 =	vsub.f32 v52, v56  }
0xa6: {  	v0 =	vmin.f32 v10, v0;
	v59 =	vsub.f32 v62, v63;
	v62 =	vmax.f32 v2, $0.0e+00  }
0xa7: {  	v63 =	vmax.f32 v6, $0.0e+00;
	v6 =	vmax.f32 v11, $0.0e+00;
	v12 =	vsub.f32 v12, v54  }
0xa8: {  	v11 =	vmax.f32 v18, $0.0e+00;
	v24 =	vsub.f32 v24, v32;
	v0 =	vsub.f32 v0, v1  }
0xa9: {  	v54 =	vmin.f32 v9, v48;
	v5 =	vadd.f32 $1.000000000e+00, v5;
	v17 =	vadd.f32 $1.000000000e+00, v17  }
0xaa: {  	s5 =	sadd.s32 $0x2, s5;
	v61 =	vmax.f32 v60, $0.0e+00;
	v52 =	vmul.f32 v6, v63;
	v23 =	vsub.f32 v54, v23  }
0xab: {  	p0 =	slt.u32 s5, $0x3E;
	v48 =	vmul.f32 v7, v11;
	v4 =	vadd.f32 $1.000000000e+00, v4;
	v32 =	vadd.f32 $1.000000000e+00, v56  }
.Ltmp1:
0xac: {  	v33 =	vadd.f32 $1.000000000e+00, v59;
	v54 =	vmul.f32 v62, v61;
	v12 =	vadd.f32 $1.000000000e+00, v12;
	(pc) =	sbr.rel @p0 .LBB2_5-.Ltmp1, $4  }
0xad: {  	v24 =	vadd.f32 $1.000000000e+00, v24;
	v59 =	vadd.f32 $1.000000000e+00, v0;
	v60 =	vmax.f32 v5, $0.0e+00  }
0xae: {  	v61 =	vmax.f32 v17, $0.0e+00;
	v58 =	vadd.f32 $1.000000000e+00, v23;
	v57 =	vmax.f32 v4, $0.0e+00  }
0xaf: {  	v62 =	vmax.f32 v32, $0.0e+00;
	v4 =	vmax.f32 v12, $0.0e+00;
	v56 =	vmax.f32 v24, $0.0e+00  }
0xb0: {  	s6 =	sadd.s32 $0x20, s6;
	v63 =	vmax.f32 v33, $0.0e+00;
	v53 =	vsub.f32 v53, v54;
	v56 =	vmul.f32 v56, v4  }
0xb1: {  	v0 =	vsub.f32 v46, v52  }
0xb2: {  	v1 =	vsub.f32 v47, v56;
	(erf) = vrcp.f32 v53  }
0xb3: {  	(erf) = vrcp.f32 v0  }
0xb4: {  	(erf) = vrcp.f32 v1;
	_ =	sdelay $0x6  }
0xb5: {  	v24 =	vpop (erf)  }
0xb6: {  	v1 =	vpop (erf)  }
0xb7: {  	v2 =	vpop (erf)  }
0xb8: {  	v2 =	vmul.f32 v2, v56  }
0xb9: {  	v3 =	vmax.f32 v58, $0.0e+00;
	v4 =	vmax.f32 v59, $0.0e+00;
	v5 =	vmul.f32 v62, v60  }
0xba: {  	v46 =	vmul.f32 v63, v61;
	v0 =	vmul.f32 v24, v54;
	vm0 =	vgt.f32 v2, v50  }
0xbb: {  	v6 =	vsub.f32 v45, v48;
	v40 =	vor.u32 $0x1, v25;
	v2 =	vsel vm0, v2, v50  }
0xbc: {  	v41 =	vmul.f32 v4, v3;
	v7 =	vsel vm0, v25, v51;
	vm2 =	vgt.f32 v0, v2  }
0xbd: {  	v53 =	vlaneseq.u32;
	v11 =	vsub.f32 v44, v5;
	v32 =	vsel vm2, v40, v7  }
0xbe: {  	v33 =	vsub.f32 v42, v46;
	v42 =	vmul.f32 v57, v55;
	v3 =	vshll.u32 v32, $0x4  }
0xbf: {  	v37 =	vor.u32 $0x400, v53;
	v47 =	vsub.f32 v38, v41;
	v45 =	vor.u32 v53, v3  }
0xc0: {  	v38 =	vor.u32 $0x800, v53;
	(erf) = vrcp.f32 v6;
	v56 =	vld [tilespmem:$0x1FF60];
	v12 =	vadd.s32 v37, v3  }
0xc1: {  	v58 =	vld [tilespmem:$0x1FF50];
	v39 =	vor.u32 $0xC00, v53;
	(erf) = vrcp.f32 v11;
	v50 =	vadd.s32 v38, v3  }
0xc2: {  	v17 =	vsub.f32 v36, v42;
	(erf) = vrcp.f32 v33;
	v51 =	vadd.s32 v39, v3  }
0xc3: {  	(erf) = vrcp.f32 v47  }
0xc4: {  	(erf) = vrcp.f32 v17;
	v6 =	vld.idx.msk [tilespmem:v45+s15+$0x0], $0xffff  }
0xc5: {  	(erf) = vrcp.f32 v56;
	v7 =	vld.idx.msk [tilespmem:v12+s15+$0x0], $0xffff  }
0xc6: {  	(erf) = vrcp.f32 v58;
	v11 =	vld.idx.msk [tilespmem:v50+s15+$0x0], $0xffff  }
0xc7: {  	v4 =	vld.idx.msk [tilespmem:v51+s15+$0x0], $0xffff;
	_ =	sdelay $0x1  }
0xc8: {  	v47 =	vpop (erf)  }
0xc9: {  	v59 =	vpop (erf)  }
0xca: {  	v50 =	vpop (erf);
	v11 =	vsub.f32 v11, v6  }
0xcb: {  	v44 =	vpop (erf);
	v4 =	vsub.f32 v4, v7  }
0xcc: {  	v45 =	vpop (erf);
	v11 =	vadd.f32 $1.000000000e+00, v11  }
0xcd: {  	v17 =	vpop (erf);
	v4 =	vadd.f32 $1.000000000e+00, v4  }
0xce: {  	v18 =	vpop (erf);
	v23 =	vmul.f32 v11, v17  }
0xcf: {  	v24 =	vmul.f32 v4, v18  }
0xd0: {  	v32 =	vand.u32 $0x7FFFFF, v23  }
0xd1: {  	v33 =	vand.u32 $0x7FFFFF, v24;
	v32 =	vor.u32 $0x3F800000, v32  }
0xd2: {  	v33 =	vor.u32 $0x3F800000, v33;
	v60 =	vmul.f32 $5.000000000e-01, v32  }
0xd3: {  	vm1 =	vgt.f32 v32, $1.414213540e+00;
	v61 =	vmul.f32 $5.000000000e-01, v33  }
0xd4: {  	vm10 =	vgt.f32 v33, $1.414213540e+00;
	v32 =	vsel vm1, v60, v32  }
0xd5: {  	v33 =	vsel vm10, v61, v33;
	v36 =	vadd.f32 $1.000000000e+00, v32  }
0xd6: {  	v51 =	vadd.f32 $1.000000000e+00, v33  }
0xd7: {  	(erf) = vrcp.f32 v36  }
0xd8: {  	(erf) = vrcp.f32 v51;
	_ =	sdelay $0x4  }
0xd9: {  	vm3 =	vge.f32 v30, $0.0e+00;
	vm4 =	vge.f32 v28, $0.0e+00;
	v54 =	vld [tilespmem:$0x1FFF0];
	v5 =	vmul.f32 v59, v5  }
0xda: {  	vm3 =	vmand vm3, vm4;
	v1 =	vmul.f32 v1, v52;
	v52 =	vmul.f32 $5.000000000e-01, v56  }
0xdb: {  	v0 =	vsel vm2, v0, v2;
	vm11 =	vgt.f32 v5, v49;
	v62 =	vadd.f32 $-1.000000000e+00, v32  }
0xdc: {  	v56 =	vadd.f32 v52, v30;
	v52 =	vld [tilespmem:$0x1FFE0];
	v2 =	vsel vm11, v5, v49;
	v49 =	vadd.f32 $-1.000000000e+00, v33;
	v63 =	vpop (erf)  }
0xdd: {  	v55 =	vmul.f32 $5.000000000e-01, v58;
	v36 =	vor.u32 $0x1000, v53;
	v5 =	vmul.f32 v63, v62;
	v51 =	vpop (erf)  }
0xde: {  	vm5 =	vlt.f32 v31, v54;
	v3 =	vadd.s32 v36, v3;
	v12 =	vmul.f32 v51, v49  }
0xdf: {  	vm3 =	vmand vm3, vm5;
	vm12 =	vlt.f32 v0, $4.000000060e-01;
	v32 =	vmul.f32 v5, v5  }
0xe0: {  	vm13 =	vge.f32 v0, $5.000000000e-01;
	v0 =	vadd.f32 v55, v28;
	v33 =	vmul.f32 v12, v12  }
0xe1: {  	vm14 =	vlt.f32 v29, v52;
	vm15 =	vgt.f32 v1, v2;
	v57 =	vmul.f32 $1.111111120e-01, v32  }
0xe2: {  	vm3 =	vmand vm3, vm14;
	v11 =	vmul.f32 $5.000000000e-01, v11;
	v59 =	vmul.f32 $1.111111120e-01, v33  }
0xe3: {  	v4 =	vmul.f32 $5.000000000e-01, v4;
	v3 =	vld.idx.msk [tilespmem:v3+s15+$0x0], $0xffff;
	v51 =	vimm.f32 $-1.000000000e+00;
	v60 =	vadd.f32 $1.428571490e-01, v57  }
0xe4: {  	v6 =	vadd.f32 v11, v6;
	v58 =	vsel vm12, $0x0, v51;
	v28 =	vadd.f32 $1.428571490e-01, v59  }
0xe5: {  	v4 =	vadd.f32 v4, v7;
	v61 =	vsel vm13, $0x3F800000, v58;
	v11 =	vmul.f32 v60, v32  }
0xe6: {  	v30 =	vshrl.u32 v23, $0x17;
	v29 =	vnsel vm3, $0xBF800000, v61;
	v28 =	vmul.f32 v28, v33  }
0xe7: {  	v24 =	vshrl.u32 v24, $0x17;
	vm3 =	veq.f32 v29, $1.000000000e+00;
	v62 =	vadd.f32 $2.000000030e-01, v11  }
0xe8: {  	v6 =	vsub.f32 v6, v56;
	v3 =	vsel vm3, v3, v29;
	v29 =	vadd.f32 $2.000000030e-01, v28  }
0xe9: {  	v24 =	vadd.s32 $0xFFFFFF81, v24;
	v0 =	vsub.f32 v4, v0;
	v7 =	vmul.f32 v62, v32  }
0xea: {  	v4 =	vadd.s32 $0xFFFFFF81, v30;
	v6 =	vmul.f32 v6, v17;
	v17 =	vmul.f32 v29, v33  }
0xeb: {  	v24 =	vcvt.s32.f32 v24;
	v4 =	vcvt.s32.f32 v4;
	v7 =	vadd.f32 $3.333333430e-01, v7  }
0xec: {  	v0 =	vmul.f32 v0, v18;
	v63 =	vsel vm11, v25, v43;
	v17 =	vadd.f32 $3.333333430e-01, v17  }
0xed: {  	v43 =	vimm.f32 $0.0e+00;
	v5 =	vadd.f32 v5, v5;
	v7 =	vmul.f32 v7, v32  }
0xee: {  	v31 =	vsel vm1, $0x3F800000, v43;
	v12 =	vadd.f32 v12, v12;
	v17 =	vmul.f32 v17, v33  }
0xef: {  	v4 =	vadd.f32 v4, v31;
	v32 =	vsel vm10, $0x3F800000, v43;
	v7 =	vmul.f32 v7, v5  }
0xf0: {  	v11 =	vsel vm15, v40, v63;
	v33 =	vadd.f32 v24, v32;
	v17 =	vmul.f32 v17, v12  }
0xf1: {  	v4 =	vmul.f32 $6.931471820e-01, v4;
	v5 =	vadd.f32 v7, v5;
	v7 =	vshll.u32 v11, $0x4  }
0xf2: {  	[tilespmem:s20+$0x2480] =	vst v6;
	v49 =	vmul.f32 $6.931471820e-01, v33;
	v55 =	vadd.f32 v17, v12;
	v56 =	vor.u32 v53, v7  }
0xf3: {  	v31 =	vld [tilespmem:$0x1FF80];
	[tilespmem:s24+$0x2480] =	vst v3;
	v57 =	vadd.s32 v37, v7;
	v4 =	vadd.f32 v5, v4  }
0xf4: {  	[tilespmem:s19+$0x2480] =	vst v0;
	v32 =	vld [tilespmem:$0x1FF70];
	v59 =	vadd.s32 v38, v7;
	v58 =	vadd.f32 v55, v49  }
0xf5: {  	s0 =	sadd.s32 s12, s0;
	v60 =	vadd.s32 v39, v7;
	[tilespmem:s18+$0x2480] =	vst v4  }
0xf6: {  	[tilespmem:s0+$0x2F80] =	vst v58  }
0xf7: {  	v0 =	vld.idx.msk [tilespmem:v56+s15+$0x0], $0xffff  }
0xf8: {  	(erf) = vrcp.f32 v31;
	v5 =	vld.idx.msk [tilespmem:v57+s15+$0x0], $0xffff  }
0xf9: {  	(erf) = vrcp.f32 v32;
	v3 =	vld.idx.msk [tilespmem:v59+s15+$0x0], $0xffff  }
0xfa: {  	v4 =	vld.idx.msk [tilespmem:v60+s15+$0x0], $0xffff;
	_ =	sdelay $0x3  }
0xfb: {  	v3 =	vsub.f32 v3, v0  }
0xfc: {  	v4 =	vsub.f32 v4, v5  }
0xfd: {  	v3 =	vadd.f32 $1.000000000e+00, v3  }
0xfe: {  	v6 =	vpop (erf);
	v4 =	vadd.f32 $1.000000000e+00, v4  }
0xff: {  	v11 =	vpop (erf);
	v12 =	vmul.f32 v3, v6  }
0x100: {  	v17 =	vmul.f32 v4, v11  }
0x101: {  	v61 =	vand.u32 $0x7FFFFF, v12  }
0x102: {  	v62 =	vand.u32 $0x7FFFFF, v17;
	v18 =	vor.u32 $0x3F800000, v61  }
0x103: {  	v23 =	vor.u32 $0x3F800000, v62;
	v63 =	vmul.f32 $5.000000000e-01, v18  }
0x104: {  	vm8 =	vgt.f32 v18, $1.414213540e+00;
	v33 =	vmul.f32 $5.000000000e-01, v23  }
0x105: {  	vm9 =	vgt.f32 v23, $1.414213540e+00;
	v18 =	vsel vm8, v63, v18  }
0x106: {  	v23 =	vsel vm9, v33, v23;
	v24 =	vadd.f32 $1.000000000e+00, v18  }
0x107: {  	v28 =	vadd.f32 $1.000000000e+00, v23  }
0x108: {  	(erf) = vrcp.f32 v24  }
0x109: {  	(erf) = vrcp.f32 v28;
	_ =	sdelay $0x5  }
0x10a: {  	v46 =	vmul.f32 v50, v46;
	v1 =	vsel vm15, v1, v2;
	v7 =	vadd.s32 v36, v7  }
0x10b: {  	vm14 =	vlt.f32 v22, v54;
	vm2 =	vlt.f32 v1, $4.000000060e-01;
	v18 =	vadd.f32 $-1.000000000e+00, v18  }
0x10c: {  	vm11 =	vge.f32 v1, $5.000000000e-01;
	v23 =	vadd.f32 $-1.000000000e+00, v23;
	v28 =	vmul.f32 v47, v48;
	v48 =	vpop (erf)  }
0x10d: {  	vm12 =	vge.f32 v20, $0.0e+00;
	vm13 =	vge.f32 v19, $0.0e+00;
	v18 =	vmul.f32 v48, v18;
	v49 =	vpop (erf)  }
0x10e: {  	v50 =	vsel vm2, $0x0, v51;
	vm4 =	vmand vm12, vm13;
	v55 =	vmul.f32 v49, v23  }
0x10f: {  	vm4 =	vmand vm4, vm14;
	vm15 =	vlt.f32 v21, v52;
	v7 =	vld.idx.msk [tilespmem:v7+s15+$0x0], $0xffff;
	v56 =	vmul.f32 v18, v18  }
0x110: {  	v31 =	vmul.f32 $5.000000000e-01, v31;
	vm7 =	vmand vm4, vm15;
	v57 =	vmul.f32 v55, v55  }
0x111: {  	vm10 =	vgt.f32 v46, v35;
	v59 =	vsel vm11, $0x3F800000, v50;
	v58 =	vmul.f32 $1.111111120e-01, v56  }
0x112: {  	v32 =	vmul.f32 $5.000000000e-01, v32;
	v29 =	vnsel vm7, $0xBF800000, v59;
	v60 =	vmul.f32 $1.111111120e-01, v57  }
0x113: {  	vm2 =	veq.f32 v29, $1.000000000e+00;
	v3 =	vmul.f32 $5.000000000e-01, v3;
	v21 =	vadd.f32 $1.428571490e-01, v58  }
0x114: {  	v7 =	vsel vm2, v7, v29;
	v4 =	vmul.f32 $5.000000000e-01, v4;
	v30 =	vadd.f32 $1.428571490e-01, v60  }
0x115: {  	v0 =	vadd.f32 v3, v0;
	v61 =	vadd.f32 v31, v20;
	v21 =	vmul.f32 v21, v56  }
0x116: {  	v4 =	vadd.f32 v4, v5;
	v17 =	vshrl.u32 v17, $0x17;
	v62 =	vmul.f32 v30, v57  }
0x117: {  	v17 =	vadd.s32 $0xFFFFFF81, v17;
	v0 =	vsub.f32 v0, v61;
	v21 =	vadd.f32 $2.000000030e-01, v21  }
0x118: {  	v17 =	vcvt.s32.f32 v17;
	v63 =	vadd.f32 v32, v19;
	v3 =	vadd.f32 $2.000000030e-01, v62  }
0x119: {  	v33 =	vsel vm8, $0x3F800000, v43;
	v0 =	vmul.f32 v0, v6;
	v31 =	vmul.f32 v21, v56  }
0x11a: {  	v4 =	vsub.f32 v4, v63;
	v24 =	vsel vm10, v46, v35;
	v3 =	vmul.f32 v3, v57  }
0x11b: {  	v47 =	vsel vm10, v25, v34;
	v30 =	vshrl.u32 v12, $0x17;
	v32 =	vadd.f32 $3.333333430e-01, v31  }
0x11c: {  	v34 =	vsel vm9, $0x3F800000, v43;
	v5 =	vadd.s32 $0xFFFFFF81, v30;
	v3 =	vadd.f32 $3.333333430e-01, v3  }
0x11d: {  	v18 =	vadd.f32 v18, v18;
	v5 =	vcvt.s32.f32 v5;
	v6 =	vmul.f32 v32, v56  }
0x11e: {  	v4 =	vmul.f32 v4, v11;
	v1 =	vadd.f32 v55, v55;
	v3 =	vmul.f32 v3, v57  }
0x11f: {  	vm0 =	vgt.f32 v28, v24;
	v5 =	vadd.f32 v5, v33;
	v6 =	vmul.f32 v6, v18  }
0x120: {  	v35 =	vadd.f32 v17, v34;
	v2 =	vsel vm0, v40, v47;
	v3 =	vmul.f32 v3, v1  }
0x121: {  	v2 =	vshll.u32 v2, $0x4;
	v5 =	vmul.f32 $6.931471820e-01, v5;
	v6 =	vadd.f32 v6, v18  }
0x122: {  	[tilespmem:s17+$0x2480] =	vst v7;
	v46 =	vmul.f32 $6.931471820e-01, v35;
	v47 =	vor.u32 v53, v2;
	v1 =	vadd.f32 v3, v1  }
0x123: {  	[tilespmem:s16+$0x2480] =	vst v0;
	v49 =	vadd.s32 v37, v2;
	v57 =	vld [tilespmem:$0x1FFA0];
	v48 =	vadd.f32 v6, v5  }
0x124: {  	[tilespmem:s13+$0x2480] =	vst v4;
	v50 =	vadd.s32 v38, v2;
	v58 =	vld [tilespmem:$0x1FF90];
	v1 =	vadd.f32 v1, v46  }
0x125: {  	v55 =	vadd.s32 v39, v2;
	[tilespmem:s14+$0x2480] =	vst v48  }
0x126: {  	[tilespmem:s24+$0x2F90] =	vst v1  }
0x127: {  	v1 =	vld.idx.msk [tilespmem:v47+s15+$0x0], $0xffff  }
0x128: {  	(erf) = vrcp.f32 v57;
	v56 =	vld.idx.msk [tilespmem:v49+s15+$0x0], $0xffff  }
0x129: {  	(erf) = vrcp.f32 v58;
	v4 =	vld.idx.msk [tilespmem:v50+s15+$0x0], $0xffff  }
0x12a: {  	v0 =	vld.idx.msk [tilespmem:v55+s15+$0x0], $0xffff;
	_ =	sdelay $0x3  }
0x12b: {  	v4 =	vsub.f32 v4, v1  }
0x12c: {  	v0 =	vsub.f32 v0, v56  }
0x12d: {  	v4 =	vadd.f32 $1.000000000e+00, v4  }
0x12e: {  	v59 =	vpop (erf);
	v0 =	vadd.f32 $1.000000000e+00, v0  }
0x12f: {  	v6 =	vpop (erf);
	v60 =	vmul.f32 v4, v59  }
0x130: {  	v61 =	vmul.f32 v0, v6  }
0x131: {  	v62 =	vand.u32 $0x7FFFFF, v60  }
0x132: {  	v63 =	vand.u32 $0x7FFFFF, v61;
	v12 =	vor.u32 $0x3F800000, v62  }
0x133: {  	v17 =	vor.u32 $0x3F800000, v63;
	v21 =	vmul.f32 $5.000000000e-01, v12  }
0x134: {  	vm3 =	vgt.f32 v12, $1.414213540e+00;
	v22 =	vmul.f32 $5.000000000e-01, v17  }
0x135: {  	vm8 =	vgt.f32 v17, $1.414213540e+00;
	v12 =	vsel vm3, v21, v12  }
0x136: {  	v17 =	vsel vm8, v22, v17;
	v18 =	vadd.f32 $1.000000000e+00, v12  }
0x137: {  	v19 =	vadd.f32 $1.000000000e+00, v17  }
0x138: {  	(erf) = vrcp.f32 v18  }
0x139: {  	(erf) = vrcp.f32 v19;
	_ =	sdelay $0x5  }
0x13a: {  	vm12 =	vge.f32 v14, $0.0e+00;
	vm13 =	vge.f32 v13, $0.0e+00;
	vm14 =	vlt.f32 v16, v54  }
0x13b: {  	vm4 =	vmand vm12, vm13;
	vm15 =	vlt.f32 v15, v52;
	v12 =	vadd.f32 $-1.000000000e+00, v12  }
0x13c: {  	vm4 =	vmand vm4, vm14;
	v23 =	vmul.f32 v44, v41;
	v17 =	vadd.f32 $-1.000000000e+00, v17;
	v33 =	vpop (erf)  }
0x13d: {  	vm7 =	vmand vm4, vm15;
	v12 =	vmul.f32 v33, v12;
	v34 =	vpop (erf)  }
0x13e: {  	vm9 =	vgt.f32 v23, v27;
	v31 =	vsel vm0, v28, v24;
	v17 =	vmul.f32 v34, v17  }
0x13f: {  	v2 =	vadd.s32 v36, v2;
	vm0 =	vlt.f32 v31, $4.000000060e-01;
	v41 =	vmul.f32 v12, v12  }
0x140: {  	vm11 =	vge.f32 v31, $5.000000000e-01;
	v19 =	vmul.f32 v45, v42;
	v42 =	vmul.f32 v17, v17  }
0x141: {  	v32 =	vsel vm9, v25, v26;
	v48 =	vmul.f32 $5.000000000e-01, v58;
	v44 =	vmul.f32 $1.111111120e-01, v41  }
0x142: {  	v35 =	vsel vm0, $0x0, v51;
	v47 =	vmul.f32 $5.000000000e-01, v57;
	v46 =	vmul.f32 $1.111111120e-01, v42  }
0x143: {  	v55 =	vadd.f32 v48, v13;
	v4 =	vmul.f32 $5.000000000e-01, v4;
	v15 =	vadd.f32 $1.428571490e-01, v44  }
0x144: {  	v0 =	vmul.f32 $5.000000000e-01, v0;
	v18 =	vsel vm9, v23, v27;
	v23 =	vadd.f32 $1.428571490e-01, v46  }
0x145: {  	v49 =	vadd.f32 v47, v14;
	v1 =	vadd.f32 v4, v1;
	v15 =	vmul.f32 v15, v41  }
0x146: {  	v0 =	vadd.f32 v0, v56;
	v56 =	vshrl.u32 v60, $0x17;
	v50 =	vmul.f32 v23, v42  }
0x147: {  	v11 =	vshrl.u32 v61, $0x17;
	v3 =	vadd.s32 $0xFFFFFF81, v56;
	v15 =	vadd.f32 $2.000000030e-01, v15  }
0x148: {  	v11 =	vadd.s32 $0xFFFFFF81, v11;
	v1 =	vsub.f32 v1, v49;
	v4 =	vadd.f32 $2.000000030e-01, v50  }
0x149: {  	v0 =	vsub.f32 v0, v55;
	v3 =	vcvt.s32.f32 v3;
	v57 =	vmul.f32 v15, v41  }
0x14a: {  	v11 =	vcvt.s32.f32 v11;
	v61 =	vsel vm8, $0x3F800000, v43;
	v4 =	vmul.f32 v4, v42  }
0x14b: {  	v1 =	vmul.f32 v1, v59;
	v59 =	vsel vm3, $0x3F800000, v43;
	v58 =	vadd.f32 $3.333333430e-01, v57  }
0x14c: {  	v0 =	vmul.f32 v0, v6;
	v3 =	vadd.f32 v3, v59;
	v4 =	vadd.f32 $3.333333430e-01, v4  }
0x14d: {  	v62 =	vadd.f32 v11, v61;
	v12 =	vadd.f32 v12, v12;
	v5 =	vmul.f32 v58, v41  }
0x14e: {  	v2 =	vld.idx.msk [tilespmem:v2+s15+$0x0], $0xffff;
	v3 =	vmul.f32 $6.931471820e-01, v3;
	v60 =	vadd.f32 v17, v17;
	v4 =	vmul.f32 v4, v42  }
0x14f: {  	v45 =	vsel vm11, $0x3F800000, v35;
	vm10 =	vgt.f32 v19, v18;
	v5 =	vmul.f32 v5, v12  }
0x150: {  	v22 =	vnsel vm7, $0xBF800000, v45;
	v21 =	vsel vm10, v40, v32;
	v4 =	vmul.f32 v4, v60  }
0x151: {  	vm0 =	veq.f32 v22, $1.000000000e+00;
	v63 =	vshll.u32 v21, $0x4;
	v5 =	vadd.f32 v5, v12  }
0x152: {  	[tilespmem:s31+$0x2480] =	vst v1;
	v24 =	vor.u32 v53, v63;
	v23 =	vmul.f32 $6.931471820e-01, v62;
	v4 =	vadd.f32 v4, v60  }
0x153: {  	v30 =	vld [tilespmem:$0x1FFC0];
	[tilespmem:s2+$0x2480] =	vst v0;
	v2 =	vsel vm0, v2, v22;
	v26 =	vadd.s32 v37, v63;
	v25 =	vadd.f32 v5, v3  }
0x154: {  	v31 =	vld [tilespmem:$0x1FFB0];
	[tilespmem:s1+$0x2480] =	vst v2;
	v28 =	vadd.s32 v38, v63;
	v27 =	vadd.f32 v4, v23  }
0x155: {  	v29 =	vadd.s32 v39, v63;
	[tilespmem:s30+$0x2480] =	vst v25  }
0x156: {  	[tilespmem:s24+$0x2FA0] =	vst v27  }
0x157: {  	v0 =	vld.idx.msk [tilespmem:v24+s15+$0x0], $0xffff  }
0x158: {  	(erf) = vrcp.f32 v30;
	v3 =	vld.idx.msk [tilespmem:v26+s15+$0x0], $0xffff  }
0x159: {  	(erf) = vrcp.f32 v31;
	v2 =	vld.idx.msk [tilespmem:v28+s15+$0x0], $0xffff  }
0x15a: {  	v1 =	vld.idx.msk [tilespmem:v29+s15+$0x0], $0xffff;
	_ =	sdelay $0x3  }
0x15b: {  	v2 =	vsub.f32 v2, v0  }
0x15c: {  	v1 =	vsub.f32 v1, v3  }
0x15d: {  	v2 =	vadd.f32 $1.000000000e+00, v2  }
0x15e: {  	v32 =	vpop (erf);
	v1 =	vadd.f32 $1.000000000e+00, v1  }
0x15f: {  	v33 =	vpop (erf);
	v34 =	vmul.f32 v2, v32  }
0x160: {  	v35 =	vmul.f32 v1, v33  }
0x161: {  	v37 =	vand.u32 $0x7FFFFF, v34  }
0x162: {  	v38 =	vand.u32 $0x7FFFFF, v35;
	v12 =	vor.u32 $0x3F800000, v37  }
0x163: {  	v13 =	vor.u32 $0x3F800000, v38;
	v39 =	vmul.f32 $5.000000000e-01, v12  }
0x164: {  	vm8 =	vgt.f32 v12, $1.414213540e+00;
	v40 =	vmul.f32 $5.000000000e-01, v13  }
0x165: {  	vm9 =	vgt.f32 v13, $1.414213540e+00;
	v12 =	vsel vm8, v39, v12  }
0x166: {  	v13 =	vsel vm9, v40, v13;
	v14 =	vadd.f32 $1.000000000e+00, v12  }
0x167: {  	v15 =	vadd.f32 $1.000000000e+00, v13  }
0x168: {  	(erf) = vrcp.f32 v14  }
0x169: {  	(erf) = vrcp.f32 v15;
	_ =	sdelay $0x5  }
0x16a: {  	v46 =	vld [tilespmem:$0x1FFD0]  }
0x16b: {  	v12 =	vadd.f32 $-1.000000000e+00, v12  }
0x16c: {  	v13 =	vadd.f32 $-1.000000000e+00, v13;
	v14 =	vpop (erf)  }
0x16d: {  	vm13 =	vlt.f32 v9, v54;
	v12 =	vmul.f32 v14, v12;
	v42 =	vpop (erf)  }
0x16e: {  	vm14 =	vlt.f32 v10, v52;
	vm11 =	vge.f32 v8, $0.0e+00;
	v13 =	vmul.f32 v42, v13  }
0x16f: {  	v7 =	vadd.s32 v36, v63;
	vm12 =	vge.f32 v46, $0.0e+00;
	v45 =	vmul.f32 v12, v12  }
0x170: {  	v17 =	vmul.f32 $5.000000000e-01, v30;
	vm3 =	vmand vm11, vm12;
	v47 =	vmul.f32 v13, v13  }
0x171: {  	v50 =	vmul.f32 $5.000000000e-01, v31;
	vm3 =	vmand vm3, vm13;
	v48 =	vmul.f32 $1.111111120e-01, v45  }
0x172: {  	vm15 =	vmand vm3, vm14;
	v41 =	vsel vm10, v19, v18;
	v49 =	vmul.f32 $1.111111120e-01, v47  }
0x173: {  	vm1 =	vlt.f32 v41, $4.000000060e-01;
	vm10 =	vge.f32 v41, $5.000000000e-01;
	v9 =	vadd.f32 $1.428571490e-01, v48  }
0x174: {  	v44 =	vsel vm1, $0x0, v51;
	v2 =	vmul.f32 $5.000000000e-01, v2;
	v10 =	vadd.f32 $1.428571490e-01, v49  }
0x175: {  	v51 =	vadd.f32 v17, v8;
	v1 =	vmul.f32 $5.000000000e-01, v1;
	v9 =	vmul.f32 v9, v45  }
0x176: {  	v0 =	vadd.f32 v2, v0;
	v52 =	vshrl.u32 v34, $0x17;
	v10 =	vmul.f32 v10, v47  }
0x177: {  	v7 =	vld.idx.msk [tilespmem:v7+s15+$0x0], $0xffff;
	v1 =	vadd.f32 v1, v3;
	v56 =	vshrl.u32 v35, $0x17;
	v9 =	vadd.f32 $2.000000030e-01, v9  }
0x178: {  	v2 =	vadd.s32 $0xFFFFFF81, v52;
	v0 =	vsub.f32 v0, v51;
	v10 =	vadd.f32 $2.000000030e-01, v10  }
0x179: {  	v2 =	vcvt.s32.f32 v2;
	v14 =	vsel vm10, $0x3F800000, v44;
	v53 =	vmul.f32 v9, v45  }
0x17a: {  	v55 =	vsel vm8, $0x3F800000, v43;
	v14 =	vnsel vm15, $0xBF800000, v14;
	v54 =	vmul.f32 v10, v47  }
0x17b: {  	v59 =	vsel vm9, $0x3F800000, v43;
	vm1 =	veq.f32 v14, $1.000000000e+00;
	v6 =	vadd.f32 $3.333333430e-01, v53  }
0x17c: {  	v57 =	vadd.f32 v12, v12;
	v7 =	vsel vm1, v7, v14;
	v3 =	vadd.f32 $3.333333430e-01, v54  }
0x17d: {  	v14 =	vadd.f32 v50, v46;
	v9 =	vadd.s32 $0xFFFFFF81, v56;
	v6 =	vmul.f32 v6, v45  }
0x17e: {  	v58 =	vadd.f32 v13, v13;
	v9 =	vcvt.s32.f32 v9;
	v3 =	vmul.f32 v3, v47  }
0x17f: {  	v2 =	vadd.f32 v2, v55;
	v0 =	vmul.f32 v0, v32;
	v6 =	vmul.f32 v6, v57  }
0x180: {  	s23 =	sadd.s32 $0x1, s23;
	v1 =	vsub.f32 v1, v14;
	v8 =	vadd.f32 v9, v59;
	v3 =	vmul.f32 v3, v58  }
0x181: {  	p0 =	sne.s32 s23, $0xB;
	v2 =	vmul.f32 $6.931471820e-01, v2;
	v60 =	vadd.f32 v6, v57  }
.Ltmp2:
0x182: {  	[tilespmem:s29+$0x2480] =	vst v0;
	v1 =	vmul.f32 v1, v33;
	v61 =	vmul.f32 $6.931471820e-01, v8;
	v3 =	vadd.f32 v3, v58;
	(pc) =	sbr.rel @p0 .LBB2_4-.Ltmp2, $4  }
0x183: {  	[tilespmem:s28+$0x2480] =	vst v7;
	v62 =	vadd.f32 v60, v2  }
0x184: {  	[tilespmem:s26+$0x2480] =	vst v1;
	v63 =	vadd.f32 v3, v61  }
0x185: {  	[tilespmem:s25+$0x2480] =	vst v62  }
0x186: {  	[tilespmem:s24+$0x2FB0] =	vst v63  }
0x187: {  	s0 =	rddreg [dreg:$0x6];
	s1 =	simm.s32 $0x2480  }
0x188: {  	[hbm4b:s0+s3] =	stream.linear.scatter [tilespmem:s1], [sflag:$0x1], $0x2C0, $0x38;
	[tilespmem:$0x3280] =	vst v63  }
0x189: {  	_ =	swait.ge [sflag:s11], $0x2C0  }
0x18a: {  	[sflag:s11] =	ssyncset.done $0x0  }
0x18b: {  	s25 =	simm.s32 $0x2740;
	s24 =	rddreg [dreg:$0x7];
	[sflag:s11] =	ssyncadd.s32 $0xFFFFFD40  }
0x18c: {  	[hbm4b:s24+s3] =	stream.linear.scatter [tilespmem:s25], [sflag:$0x1], $0x2C0, $0x38;
	[tilespmem:$0x3280] =	vst v63  }
0x18d: {  	_ =	swait.ge [sflag:s11], $0x2C0  }
0x18e: {  	[sflag:s11] =	ssyncset.done $0x0  }
0x18f: {  	s28 =	simm.s32 $0x2A00;
	s26 =	rddreg [dreg:$0x8];
	[sflag:s11] =	ssyncadd.s32 $0xFFFFFD40  }
0x190: {  	[hbm4b:s26+s3] =	stream.linear.scatter [tilespmem:s28], [sflag:$0x1], $0x2C0, $0x38;
	[tilespmem:$0x3280] =	vst v63  }
0x191: {  	_ =	swait.ge [sflag:s11], $0x2C0  }
0x192: {  	[sflag:s11] =	ssyncset.done $0x0  }
0x193: {  	s30 =	simm.s32 $0x2CC0;
	s29 =	rddreg [dreg:$0x9];
	[sflag:s11] =	ssyncadd.s32 $0xFFFFFD40  }
0x194: {  	[hbm4b:s29+s3] =	stream.linear.scatter [tilespmem:s30], [sflag:$0x1], $0x2C0, $0x38;
	[tilespmem:$0x3280] =	vst v63  }
0x195: {  	s21 =	sadd.s32 $0x1, s21;
	_ =	swait.ge [sflag:s11], $0x2C0  }
0x196: {  	p0 =	sne.s32 s21, s10;
	[sflag:s11] =	ssyncset.done $0x0  }
.Ltmp3:
0x197: {  	s31 =	simm.s32 $0x2F80;
	[sflag:s11] =	ssyncadd.s32 $0xFFFFFD40;
	(pc) =	sbr.rel @p0 .LBB2_1-.Ltmp3, $4  }
0x198: {  	[hbm4b:s9+s3] =	stream.linear.scatter [tilespmem:s31], [sflag:$0x1], $0x2C0, $0x38;
	[tilespmem:$0x3280] =	vst v63  }
0x199: {  	_ =	swait.ge [sflag:s11], $0x2C0  }
0x19a: {  	[sflag:s11] =	ssyncset.done $0x0  }
0x19b: {  	[sflag:s11] =	ssyncadd.s32 $0xFFFFFD40  }
0x19c: {  	_ =	sfence.sel $0x180000  }
0x19d: {  	[bflag:$0x0] =	sbarrier.arrive $0xFFFF  }
0x19e: {  	_ =	strace $0x90000047  }
0x19f: {  	s0 =	stileid.u32;
	[bflag:$0x2] =	sbarrier.arrive $0xFFFF  }
0x1a0: {  	p0 =	sne.s32 s0, $0x0;
	s0 =	rddreg [dreg:$0x4]  }
0x1a1: {  	s0 =	sadd.s32 @!p0 $0x100000, s0  }
0x1a2: {  	[sflag:s0] =	ssyncadd.tile.s32 @!p0 $0x1;
	_ =	shalt  }
.Lfunc_end2:
_tile_overlayer_lowered:
.L_overlay_start_2:
0x1a3: {  	(tag) =	ssettag $0x2  }
0x1a4: {  	s0 =	rddreg [dreg:$0x0];
	s2 =	stileid.u32  }
0x1a5: {  	s1 =	rddreg [dreg:$0x1];
	p0 =	sne.s32 s2, $0x0  }
0x1a6: {  	s3 =	rddreg [dreg:$0x2];
	[bflag:$0x3] =	sbarrier.arrive $0xFFFF;
	s2 =	simm.s32 @!p0 $0x1C01  }
0x1a7: {  	[timem:s3], [sflag:s2] =	dma.local @!p0 [hbm:s0], s1  }
0x1a8: {  	s0 =	simm.s32 @!p0 $0x1  }
0x1a9: {  	_ =	swait.ge @!p0 [sflag:s0], s1  }
0x1aa: {  	s1 =	ssub.s32 @!p0 $0x0, s1;
	[sflag:s0] =	ssyncset.done @!p0 $0x0  }
0x1ab: {  	[sflag:s0] =	ssyncadd.s32 @!p0 s1  }
0x1ac: {  	[bflag:$0x3] =	sbarrier.arrive $0xFFFF  }
0x1ad: {  	_ =	shalt  }

</sc_bundles>
